<compile_context>
chip_gen: v7x
topology: tpu7x:2x2x1
jax: 0.10.2.dev20260603
libtpu: 0.0.44.dev20260713+nightly
codegen_flags: <defaults>
</compile_context>

<pallas_src>
import dataclasses

import jax
import jax.numpy as jnp
from jax import lax
from jax.experimental import pallas as pl
from jax.experimental.pallas import tpu as pltpu
from jax.experimental.pallas import tpu_sc as plsc

M = 16384
D = 512
B = 4096


BB = 2048
BM = 512
NB = B // BB

_I32_MAX = jnp.iinfo(jnp.int32).max


def _lt(av, ai, bv, bi):
    return (av < bv) | ((av == bv) & (ai < bi))


def _merge2(m1, i1, m2, i2, n1, j1, n2, j2):
    first_old = _lt(m1, i1, n1, j1)
    f_v = jnp.where(first_old, m1, n1)
    f_i = jnp.where(first_old, i1, j1)
    lose_v = jnp.where(first_old, n1, m1)
    lose_i = jnp.where(first_old, j1, i1)
    sec_old = _lt(m2, i2, n2, j2)
    alt_v = jnp.where(sec_old, m2, n2)
    alt_i = jnp.where(sec_old, i2, j2)
    take_lose = _lt(lose_v, lose_i, alt_v, alt_i)
    s_v = jnp.where(take_lose, lose_v, alt_v)
    s_i = jnp.where(take_lose, lose_i, alt_i)
    return f_v, f_i, s_v, s_i


def _make_top2_kernel(nm):
    def _top2_kernel(off_ref, s_ref, v_ref, b_ref, sidx_ref, bd2_ref, sd2_ref,
                     s2_ref, m1_ref, i1_ref, m2_ref, i2_ref):
        mi = pl.program_id(1)
        samples = s_ref[...]

        @pl.when(mi == 0)
        def _init():
            ones = jnp.ones((1, D), jnp.float32)
            s2_ref[...] = jax.lax.dot_general(
                ones, samples * samples, (((1,), (1,)), ((), ())),
                preferred_element_type=jnp.float32)
            m1_ref[...] = jnp.full((1, BB), jnp.inf, jnp.float32)
            m2_ref[...] = jnp.full((1, BB), jnp.inf, jnp.float32)
            i1_ref[...] = jnp.zeros((1, BB), jnp.int32)
            i2_ref[...] = jnp.zeros((1, BB), jnp.int32)

        vblk = v_ref[...]
        onesd = jnp.ones((1, D), jnp.float32)
        v2 = jax.lax.dot_general(
            vblk * vblk, onesd, (((1,), (1,)), ((), ())),
            preferred_element_type=jnp.float32)
        sv = jax.lax.dot_general(
            vblk, samples, (((1,), (1,)), ((), ())),
            preferred_element_type=jnp.float32)
        d2 = (s2_ref[...] + v2) - 2.0 * sv
        d2 = jnp.maximum(d2, 0.0)

        liota = jax.lax.broadcasted_iota(jnp.int32, (BM, BB), 0)
        n1 = jnp.min(d2, axis=0, keepdims=True)
        j1l = jnp.min(jnp.where(d2 == n1, liota, _I32_MAX),
                      axis=0, keepdims=True)
        dmask = jnp.where(liota == j1l, jnp.inf, d2)
        n2 = jnp.min(dmask, axis=0, keepdims=True)
        j2l = jnp.min(jnp.where(dmask == n2, liota, _I32_MAX),
                      axis=0, keepdims=True)
        j1 = j1l + mi * BM
        j2 = j2l + mi * BM
        n1 = jnp.sqrt(n1)
        n2 = jnp.sqrt(n2)

        f_v, f_i, s_v, s_i = _merge2(
            m1_ref[...], i1_ref[...], m2_ref[...], i2_ref[...],
            n1, j1, n2, j2)
        m1_ref[...], i1_ref[...] = f_v, f_i
        m2_ref[...], i2_ref[...] = s_v, s_i

        @pl.when(mi == nm - 1)
        def _emit():
            off = off_ref[0, 0]
            b_ref[...] = i1_ref[...] + off
            sidx_ref[...] = i2_ref[...] + off
            bd2_ref[...] = m1_ref[...]
            sd2_ref[...] = m2_ref[...]

    return _top2_kernel


def _top2(samples, V_l, off):
    nm = V_l.shape[0] // BM
    return pl.pallas_call(
        _make_top2_kernel(nm),
        grid=(NB, nm),
        in_specs=[
            pl.BlockSpec((1, 1), lambda bi, mi: (0, 0),
                         memory_space=pltpu.SMEM),
            pl.BlockSpec((BB, D), lambda bi, mi: (bi, 0)),
            pl.BlockSpec((BM, D), lambda bi, mi: (mi, 0)),
        ],
        out_specs=[
            pl.BlockSpec((1, BB), lambda bi, mi: (0, bi)),
            pl.BlockSpec((1, BB), lambda bi, mi: (0, bi)),
            pl.BlockSpec((1, BB), lambda bi, mi: (0, bi)),
            pl.BlockSpec((1, BB), lambda bi, mi: (0, bi)),
        ],
        out_shape=[
            jax.ShapeDtypeStruct((1, B), jnp.int32),
            jax.ShapeDtypeStruct((1, B), jnp.int32),
            jax.ShapeDtypeStruct((1, B), jnp.float32),
            jax.ShapeDtypeStruct((1, B), jnp.float32),
        ],
        scratch_shapes=[
            pltpu.VMEM((1, BB), jnp.float32),
            pltpu.VMEM((1, BB), jnp.float32),
            pltpu.VMEM((1, BB), jnp.int32),
            pltpu.VMEM((1, BB), jnp.float32),
            pltpu.VMEM((1, BB), jnp.int32),
        ],
        compiler_params=pltpu.CompilerParams(
            dimension_semantics=("parallel", "arbitrary")),
    )(off, samples, V_l)



BI = 512
NI = B // BI


def _prep_kernel(bc_ref, sc_ref, br_ref, sr_ref,
                 cntb_ref, cnts_ref, winb_ref, wins_ref):
    ii = pl.program_id(0)
    b_col = bc_ref[...]
    s_col = sc_ref[...]
    b_row = br_ref[...]
    s_row = sr_ref[...]
    irow = jax.lax.broadcasted_iota(jnp.int32, (B, 1), 0)
    icol = jax.lax.broadcasted_iota(jnp.int32, (1, BI), 1) + ii * BI
    onef = jnp.float32(1.0)

    eb = b_col == b_row
    cntb_ref[...] = jnp.sum(jnp.where(eb, onef, 0.0), axis=0, keepdims=True)
    later_b = jnp.sum(jnp.where(eb & (irow > icol), onef, 0.0),
                      axis=0, keepdims=True)
    winb_ref[...] = jnp.where(later_b == 0.0, onef, 0.0)

    es = s_col == s_row
    cnts_ref[...] = jnp.sum(jnp.where(es, onef, 0.0), axis=0, keepdims=True)
    later_s = jnp.sum(jnp.where(es & (irow > icol), onef, 0.0),
                      axis=0, keepdims=True)
    wins_ref[...] = jnp.where(later_s == 0.0, onef, 0.0)


def _prep(b_col, s_col, b_row, s_row):
    return pl.pallas_call(
        _prep_kernel,
        grid=(NI,),
        in_specs=[
            pl.BlockSpec((B, 1), lambda ii: (0, 0)),
            pl.BlockSpec((B, 1), lambda ii: (0, 0)),
            pl.BlockSpec((1, BI), lambda ii: (0, ii)),
            pl.BlockSpec((1, BI), lambda ii: (0, ii)),
        ],
        out_specs=[
            pl.BlockSpec((1, BI), lambda ii: (0, ii)),
            pl.BlockSpec((1, BI), lambda ii: (0, ii)),
            pl.BlockSpec((1, BI), lambda ii: (0, ii)),
            pl.BlockSpec((1, BI), lambda ii: (0, ii)),
        ],
        out_shape=[
            jax.ShapeDtypeStruct((1, B), jnp.float32),
            jax.ShapeDtypeStruct((1, B), jnp.float32),
            jax.ShapeDtypeStruct((1, B), jnp.float32),
            jax.ShapeDtypeStruct((1, B), jnp.float32),
        ],
        compiler_params=pltpu.CompilerParams(
            dimension_semantics=("arbitrary",)),
    )(b_col, s_col, b_row, s_row)



_CH = 16


def _make_nt_kernel(mh):
    def _nt_kernel(lo_hbm, b_hbm, s_hbm, sd_hbm, winb_hbm, wins_hbm,
                   cntb_hbm, cnts_hbm, n_hbm, t_hbm, nout_hbm, tout_hbm,
                   acc_v, b_v, s_v, val_v, win_v, win2_v, lo_v):
        cid = lax.axis_index("c")
        sid = lax.axis_index("s")
        wid = sid * 2 + cid

        @pl.when(wid == 0)
        def _do_n():
            pltpu.sync_copy(n_hbm, acc_v)
            pltpu.sync_copy(b_hbm, b_v)
            pltpu.sync_copy(s_hbm, s_v)
            pltpu.sync_copy(cntb_hbm, val_v)
            pltpu.sync_copy(winb_hbm, win_v)
            pltpu.sync_copy(wins_hbm, win2_v)
            pltpu.sync_copy(lo_hbm, lo_v)
            lo = lo_v[...]

            @pl.loop(0, B // _CH)
            def _bphase(k):
                sl = pl.ds(k * _CH, _CH)
                lidx = b_v[sl] - lo
                mask = (win_v[sl] > 0.5) & (lidx >= 0) & (lidx < mh)
                lidx = jnp.minimum(jnp.maximum(lidx, 0), mh - 1)
                plsc.addupdate_scatter(acc_v, [lidx], val_v[sl], mask=mask)

            pltpu.sync_copy(cnts_hbm, val_v)

            @pl.loop(0, B // _CH)
            def _sphase(k):
                sl = pl.ds(k * _CH, _CH)
                lidx = s_v[sl] - lo
                mask = (win2_v[sl] > 0.5) & (lidx >= 0) & (lidx < mh)
                lidx = jnp.minimum(jnp.maximum(lidx, 0), mh - 1)
                plsc.addupdate_scatter(acc_v, [lidx], val_v[sl], mask=mask)

            pltpu.sync_copy(acc_v, nout_hbm)

        @pl.when(wid == 1)
        def _do_t():
            pltpu.sync_copy(t_hbm, acc_v)
            pltpu.sync_copy(b_hbm, b_v)
            pltpu.sync_copy(sd_hbm, val_v)
            pltpu.sync_copy(winb_hbm, win_v)
            pltpu.sync_copy(lo_hbm, lo_v)
            lo = lo_v[...]

            @pl.loop(0, B // _CH)
            def _tphase(k):
                sl = pl.ds(k * _CH, _CH)
                lidx = b_v[sl] - lo
                mask = (win_v[sl] > 0.5) & (lidx >= 0) & (lidx < mh)
                lidx = jnp.minimum(jnp.maximum(lidx, 0), mh - 1)
                plsc.store_scatter(acc_v, [lidx], val_v[sl], mask=mask)

            pltpu.sync_copy(acc_v, tout_hbm)

    return _nt_kernel


def _nt_scatter(lo_vec, b_flat, s_flat, sd_flat, winb, wins, cntb, cnts,
                n_l, t_l):
    mh = n_l.shape[0]
    mesh = plsc.VectorSubcoreMesh(core_axis_name="c", subcore_axis_name="s")
    cp = pltpu.CompilerParams()
    if "needs_layout_passes" in pltpu.CompilerParams.__dataclass_fields__:
        cp = dataclasses.replace(cp, needs_layout_passes=False)
    f = pl.kernel(
        _make_nt_kernel(mh),
        out_type=[
            jax.ShapeDtypeStruct((mh,), jnp.float32),
            jax.ShapeDtypeStruct((mh,), jnp.float32),
        ],
        mesh=mesh,
        scratch_types=[
            pltpu.VMEM((mh,), jnp.float32),
            pltpu.VMEM((B,), jnp.int32),
            pltpu.VMEM((B,), jnp.int32),
            pltpu.VMEM((B,), jnp.float32),
            pltpu.VMEM((B,), jnp.float32),
            pltpu.VMEM((B,), jnp.float32),
            pltpu.VMEM((_CH,), jnp.int32),
        ],
        compiler_params=cp,
    )
    return f(lo_vec, b_flat, s_flat, sd_flat, winb, wins, cntb, cnts, n_l, t_l)



BR = 512


def _make_v_kernel(d_aug):
    def _v_kernel(off_ref, v_ref, sb_ref, br_ref, eps_ref, vout_ref):
        ri = pl.program_id(0)
        rows_col = (jax.lax.broadcasted_iota(jnp.int32, (BR, 1), 0)
                    + ri * BR + off_ref[0, 0])
        b_row = br_ref[...]
        onehot_t = (rows_col == b_row).astype(jnp.bfloat16)
        aug = jax.lax.dot_general(
            onehot_t, sb_ref[...], (((1,), (0,)), ((), ())),
            preferred_element_type=jnp.float32)
        ssum = aug[:, :D]
        cb_col = aug[:, D:D + 1]
        eps = eps_ref[0, 0]
        vout_ref[...] = v_ref[...] * (1.0 - eps * cb_col) + eps * ssum
    return _v_kernel


def _v_update(V_l, samples_aug, b_row, eps, off):
    nr = V_l.shape[0] // BR
    d_aug = samples_aug.shape[1]
    return pl.pallas_call(
        _make_v_kernel(d_aug),
        grid=(nr,),
        in_specs=[
            pl.BlockSpec((1, 1), lambda ri: (0, 0),
                         memory_space=pltpu.SMEM),
            pl.BlockSpec((BR, D), lambda ri: (ri, 0)),
            pl.BlockSpec((B, d_aug), lambda ri: (0, 0)),
            pl.BlockSpec((1, B), lambda ri: (0, 0)),
            pl.BlockSpec((1, 1), lambda ri: (0, 0),
                         memory_space=pltpu.SMEM),
        ],
        out_specs=pl.BlockSpec((BR, D), lambda ri: (ri, 0)),
        out_shape=jax.ShapeDtypeStruct((V_l.shape[0], D), jnp.float32),
        compiler_params=pltpu.CompilerParams(
            dimension_semantics=("arbitrary",)),
    )(off, V_l, samples_aug, b_row, eps)




def _step(eps, samples, samples_aug, V_l, n_l, t_l, sid, iz):
    mh = V_l.shape[0]
    off = (sid * mh).astype(jnp.int32).reshape(1, 1)
    i1, i2, m1, m2 = _top2(samples, V_l, off)
    b_row, s_row = i1, i2
    bd_row = m1
    sd_row = m2

    cntb, cnts, winb, wins = _prep(
        b_row.reshape(B, 1), s_row.reshape(B, 1), b_row, s_row)

    lo_vec = (jnp.full((_CH,), 0, jnp.int32) + iz
              + (sid * mh).astype(jnp.int32))
    n_new, t_new = _nt_scatter(
        lo_vec, b_row.reshape(B), s_row.reshape(B), sd_row.reshape(B),
        winb.reshape(B), wins.reshape(B), cntb.reshape(B), cnts.reshape(B),
        n_l, t_l)

    V_new = _v_update(V_l, samples_aug, b_row, eps, off)
    return V_new, n_new, t_new, bd_row.reshape(B), sd_row.reshape(B)


def kernel(it, samples, labels, V, n, t):
    del labels
    eps_b = jnp.asarray(1.0 / (it + 2), jnp.float32).reshape(1, 1)
    pad = jnp.zeros((B, 128), jnp.bfloat16).at[:, 0].set(jnp.bfloat16(1.0))
    samples_aug = jnp.concatenate([samples.astype(jnp.bfloat16), pad], axis=1)

    sid = jnp.int32(0)
    iz = (it * 0).astype(jnp.int32)
    return _step(eps_b, samples, samples_aug, V, n, t, sid, iz)

# --- scband reference (transcript-rebuilt; emitter-appended) ---
"""Pipeline reference for scband-soinnplus-14001593385388 (READ-ONLY COPY).

The authoritative reference and input builder live on the scoring server;
editing this copy changes nothing except your own understanding.
"""

import jax, jax.numpy as jnp
import numpy as np

M = 16384   # number of prototype nodes in grown SOINN memory
D = 512     # feature dim
B = 4096    # streamed mini-batch size


def setup_inputs(seed: int = 0) -> dict:
    key = jax.random.key(seed)
    k1, k2, k3 = jax.random.split(key, 3)
    samples = jax.random.normal(k1, (B, D), dtype=jnp.float32)
    labels = jax.random.randint(k2, (B,), 0, 100, dtype=jnp.int32)
    # learned/stateful buffers per __init__ (V ~ U[0,1) as in torch.rand; n, t counters/thresholds)
    V = jax.random.uniform(k3, (M, D), dtype=jnp.float32)
    n = jnp.zeros((M,), dtype=jnp.float32)
    t = jnp.ones((M,), dtype=jnp.float32)
    return {"it": 1, "samples": samples, "labels": labels, "V": V, "n": n, "t": t}


def reference(it, samples, labels, V, n, t):
    """Batched SOINN+ step: BMU/sBMU search (pairwise L2 + top-2), threshold
    update, and BMU weight pull (scatter-add into prototype memory V), matching
    ASOINN.activate_bmus / update_threshold / update_bmu with batch-vectorized
    samples. eps_b/eps_n follow the iteration schedule in ASOINN.forward."""
    eps_b = 1.0 / (it + 2)
    # pairwise L2 distances via GEMM: ||s||^2 + ||v||^2 - 2 s @ V^T  (nn.PairwiseDistance(2))
    s2 = jnp.sum(samples * samples, axis=1, keepdims=True)          # [B,1]
    v2 = jnp.sum(V * V, axis=1)                                     # [M]
    d2 = s2 + v2[None, :] - 2.0 * (samples @ V.T)                   # [B,M]
    d2 = jnp.maximum(d2, 0.0)
    dists = jnp.sqrt(d2)
    # torch.topk(dists, k=2, largest=False) -> top_k on negated distances
    neg_vals, idx = jax.lax.top_k(-dists, 2)
    b_dist = -neg_vals[:, 0]
    s_dist = -neg_vals[:, 1]
    b = idx[:, 0]
    s = idx[:, 1]
    # update_bmu: V[b] += eps_b * (sample - V[b])  (scatter into memory rows)
    V_new = V.at[b].add(eps_b * (samples - V[b]))
    # edge-degree counters: n[b] += 1, n[s] += 1
    n_new = n.at[b].add(1.0).at[s].add(1.0)
    # update_threshold: t[b] <- distance to nearest other node (sBMU distance)
    t_new = t.at[b].set(s_dist)
    return (V_new, n_new, t_new, b_dist, s_dist)

if __name__ == "__main__":
    import jax
    _d = setup_inputs()
    print(jax.jit(kernel)(*tuple(_d.values())))

</pallas_src>

<mosaic_0001>
#map = affine_map<(d0, d1) -> (0)>
module attributes {stable_mosaic.version = 14 : i64} {
  func.func @_nt_kernel(%arg0: i32, %arg1: i32, %arg2: memref<16xi32, #tpu.memory_space<hbm>>, %arg3: memref<4096xi32, #tpu.memory_space<hbm>>, %arg4: memref<4096xi32, #tpu.memory_space<hbm>>, %arg5: memref<4096xf32, #tpu.memory_space<hbm>>, %arg6: memref<4096xf32, #tpu.memory_space<hbm>>, %arg7: memref<4096xf32, #tpu.memory_space<hbm>>, %arg8: memref<4096xf32, #tpu.memory_space<hbm>>, %arg9: memref<4096xf32, #tpu.memory_space<hbm>>, %arg10: memref<16384xf32, #tpu.memory_space<hbm>>, %arg11: memref<16384xf32, #tpu.memory_space<hbm>>, %arg12: memref<16384xf32, #tpu.memory_space<hbm>>, %arg13: memref<16384xf32, #tpu.memory_space<hbm>>, %arg14: memref<16384xf32, #tpu.memory_space<vmem>>, %arg15: memref<4096xi32, #tpu.memory_space<vmem>>, %arg16: memref<4096xi32, #tpu.memory_space<vmem>>, %arg17: memref<4096xf32, #tpu.memory_space<vmem>>, %arg18: memref<4096xf32, #tpu.memory_space<vmem>>, %arg19: memref<4096xf32, #tpu.memory_space<vmem>>, %arg20: memref<16xi32, #tpu.memory_space<vmem>>) attributes {dimension_semantics = [#tpu.dimension_semantics<core_parallel>, #tpu.dimension_semantics<subcore_parallel>], iteration_bounds = array<i64: 2, 16>, scalar_prefetch = 0 : i64, scratch_operands = 7 : i64, tpu.core_type = #tpu.core_type<sc_vector_subcore>, window_params = [{transform_indices = #map}, {transform_indices = #map}, {transform_indices = #map}, {transform_indices = #map}, {transform_indices = #map}, {transform_indices = #map}, {transform_indices = #map}, {transform_indices = #map}, {transform_indices = #map}, {transform_indices = #map}, {transform_indices = #map}, {transform_indices = #map}]} {
    %mul3A = arith.constant 2 : i32
    %mul3A_0 = arith.muli %arg1, %mul3A : i32
    %add3A = arith.addi %mul3A_0, %arg0 : i32
    %eq3A = arith.constant 0 : i32
    %eq3A_1 = arith.cmpi eq, %add3A, %eq3A : i32
    %convert_element_type3A = arith.extui %eq3A_1 : i1 to i32
    %cond3A = arith.constant 0 : i32
    %cond3A_2 = arith.cmpi ne, %convert_element_type3A, %cond3A : i32
    scf.if %cond3A_2 {
      "tpu.region"() ({
        %run_scoped3A = tpu.sem_alloc : memref<!tpu.dma_semaphore, #tpu.memory_space<semaphore_mem>>
        tpu.enqueue_dma source(%arg10 : memref<16384xf32, #tpu.memory_space<hbm>>) target(%arg14 : memref<16384xf32, #tpu.memory_space<vmem>>) target_semaphore(%run_scoped3A : memref<!tpu.dma_semaphore, #tpu.memory_space<semaphore_mem>>)
        tpu.wait_dma2 semaphore(%run_scoped3A : memref<!tpu.dma_semaphore, #tpu.memory_space<semaphore_mem>>) src(%arg10 : memref<16384xf32, #tpu.memory_space<hbm>>) dst(%arg14 : memref<16384xf32, #tpu.memory_space<vmem>>)
        tpu.yield
      }) : () -> ()
      "tpu.region"() ({
        %run_scoped3A = tpu.sem_alloc : memref<!tpu.dma_semaphore, #tpu.memory_space<semaphore_mem>>
        tpu.enqueue_dma source(%arg3 : memref<4096xi32, #tpu.memory_space<hbm>>) target(%arg15 : memref<4096xi32, #tpu.memory_space<vmem>>) target_semaphore(%run_scoped3A : memref<!tpu.dma_semaphore, #tpu.memory_space<semaphore_mem>>)
        tpu.wait_dma2 semaphore(%run_scoped3A : memref<!tpu.dma_semaphore, #tpu.memory_space<semaphore_mem>>) src(%arg3 : memref<4096xi32, #tpu.memory_space<hbm>>) dst(%arg15 : memref<4096xi32, #tpu.memory_space<vmem>>)
        tpu.yield
      }) : () -> ()
      "tpu.region"() ({
        %run_scoped3A = tpu.sem_alloc : memref<!tpu.dma_semaphore, #tpu.memory_space<semaphore_mem>>
        tpu.enqueue_dma source(%arg4 : memref<4096xi32, #tpu.memory_space<hbm>>) target(%arg16 : memref<4096xi32, #tpu.memory_space<vmem>>) target_semaphore(%run_scoped3A : memref<!tpu.dma_semaphore, #tpu.memory_space<semaphore_mem>>)
        tpu.wait_dma2 semaphore(%run_scoped3A : memref<!tpu.dma_semaphore, #tpu.memory_space<semaphore_mem>>) src(%arg4 : memref<4096xi32, #tpu.memory_space<hbm>>) dst(%arg16 : memref<4096xi32, #tpu.memory_space<vmem>>)
        tpu.yield
      }) : () -> ()
      "tpu.region"() ({
        %run_scoped3A = tpu.sem_alloc : memref<!tpu.dma_semaphore, #tpu.memory_space<semaphore_mem>>
        tpu.enqueue_dma source(%arg8 : memref<4096xf32, #tpu.memory_space<hbm>>) target(%arg17 : memref<4096xf32, #tpu.memory_space<vmem>>) target_semaphore(%run_scoped3A : memref<!tpu.dma_semaphore, #tpu.memory_space<semaphore_mem>>)
        tpu.wait_dma2 semaphore(%run_scoped3A : memref<!tpu.dma_semaphore, #tpu.memory_space<semaphore_mem>>) src(%arg8 : memref<4096xf32, #tpu.memory_space<hbm>>) dst(%arg17 : memref<4096xf32, #tpu.memory_space<vmem>>)
        tpu.yield
      }) : () -> ()
      "tpu.region"() ({
        %run_scoped3A = tpu.sem_alloc : memref<!tpu.dma_semaphore, #tpu.memory_space<semaphore_mem>>
        tpu.enqueue_dma source(%arg6 : memref<4096xf32, #tpu.memory_space<hbm>>) target(%arg18 : memref<4096xf32, #tpu.memory_space<vmem>>) target_semaphore(%run_scoped3A : memref<!tpu.dma_semaphore, #tpu.memory_space<semaphore_mem>>)
        tpu.wait_dma2 semaphore(%run_scoped3A : memref<!tpu.dma_semaphore, #tpu.memory_space<semaphore_mem>>) src(%arg6 : memref<4096xf32, #tpu.memory_space<hbm>>) dst(%arg18 : memref<4096xf32, #tpu.memory_space<vmem>>)
        tpu.yield
      }) : () -> ()
      "tpu.region"() ({
        %run_scoped3A = tpu.sem_alloc : memref<!tpu.dma_semaphore, #tpu.memory_space<semaphore_mem>>
        tpu.enqueue_dma source(%arg7 : memref<4096xf32, #tpu.memory_space<hbm>>) target(%arg19 : memref<4096xf32, #tpu.memory_space<vmem>>) target_semaphore(%run_scoped3A : memref<!tpu.dma_semaphore, #tpu.memory_space<semaphore_mem>>)
        tpu.wait_dma2 semaphore(%run_scoped3A : memref<!tpu.dma_semaphore, #tpu.memory_space<semaphore_mem>>) src(%arg7 : memref<4096xf32, #tpu.memory_space<hbm>>) dst(%arg19 : memref<4096xf32, #tpu.memory_space<vmem>>)
        tpu.yield
      }) : () -> ()
      "tpu.region"() ({
        %run_scoped3A = tpu.sem_alloc : memref<!tpu.dma_semaphore, #tpu.memory_space<semaphore_mem>>
        tpu.enqueue_dma source(%arg2 : memref<16xi32, #tpu.memory_space<hbm>>) target(%arg20 : memref<16xi32, #tpu.memory_space<vmem>>) target_semaphore(%run_scoped3A : memref<!tpu.dma_semaphore, #tpu.memory_space<semaphore_mem>>)
        tpu.wait_dma2 semaphore(%run_scoped3A : memref<!tpu.dma_semaphore, #tpu.memory_space<semaphore_mem>>) src(%arg2 : memref<16xi32, #tpu.memory_space<hbm>>) dst(%arg20 : memref<16xi32, #tpu.memory_space<vmem>>)
        tpu.yield
      }) : () -> ()
      %get3A = arith.constant 0 : index
      %get3A_8 = tpu.vector_load %arg20[%get3A] {strides = array<i32>} : memref<16xi32, #tpu.memory_space<vmem>>, vector<16xi32>,
      %scan3A = arith.constant 0 : i32
      %scan3A_9 = arith.constant 256 : i32
      %scan3A_10 = arith.addi %scan3A, %scan3A_9 : i32
      %scan3A_11 = arith.constant 1 : i32
      scf.for %scan3A_18 = %scan3A to %scan3A_10 step %scan3A_11  : i32 {
        %mul3A_19 = arith.constant 1 : i32
        %mul3A_20 = arith.muli %scan3A_18, %mul3A_19 : i32
        %add3A_21 = arith.constant 0 : i32
        %add3A_22 = arith.addi %add3A_21, %mul3A_20 : i32
        %mul3A_23 = arith.constant 16 : i32
        %mul3A_24 = arith.muli %add3A_22, %mul3A_23 : i32
        %get3A_25 = arith.index_cast %mul3A_24 : i32 to index
        %get3A_26 = tpu.vector_load %arg15[%get3A_25] {strides = array<i32>} : memref<4096xi32, #tpu.memory_space<vmem>>, vector<16xi32>,
        %sub3A = arith.subi %get3A_26, %get3A_8 : vector<16xi32>
        %get3A_27 = arith.index_cast %mul3A_24 : i32 to index
        %get3A_28 = tpu.vector_load %arg18[%get3A_27] {strides = array<i32>} : memref<4096xf32, #tpu.memory_space<vmem>>, vector<16xf32>,
        %gt3A = arith.constant 5.000000e-01 : f32
        %gt3A_29 = vector.broadcast %gt3A : f32 to vector<16xf32>
        %gt3A_30 = arith.cmpf ogt, %get3A_28, %gt3A_29 : vector<16xf32>
        %ge3A = arith.constant 0 : i32
        %ge3A_31 = vector.broadcast %ge3A : i32 to vector<16xi32>
        %ge3A_32 = arith.cmpi sge, %sub3A, %ge3A_31 : vector<16xi32>
        %and3A = arith.andi %gt3A_30, %ge3A_32 : vector<16xi1>
        %lt3A = arith.constant 16384 : i32
        %lt3A_33 = vector.broadcast %lt3A : i32 to vector<16xi32>
        %lt3A_34 = arith.cmpi slt, %sub3A, %lt3A_33 : vector<16xi32>
        %and3A_35 = arith.andi %and3A, %lt3A_34 : vector<16xi1>
        %max3A = arith.constant 0 : i32
        %max3A_36 = vector.broadcast %max3A : i32 to vector<16xi32>
        %max3A_37 = arith.maxsi %sub3A, %max3A_36 : vector<16xi32>
        %min3A = arith.constant 16383 : i32
        %min3A_38 = vector.broadcast %min3A : i32 to vector<16xi32>
        %min3A_39 = arith.minsi %max3A_37, %min3A_38 : vector<16xi32>
        %get3A_40 = arith.index_cast %mul3A_24 : i32 to index
        %get3A_41 = tpu.vector_load %arg17[%get3A_40] {strides = array<i32>} : memref<4096xf32, #tpu.memory_space<vmem>>, vector<16xf32>,
        tpu.vector_store_idx %arg14[%min3A_39], %get3A_41 masked %and3A_35 {add = true} : memref<16384xf32, #tpu.memory_space<vmem>>[vector<16xi32>], vector<16xf32>, vector<16xi1>
      }
      %scan3A_12 = arith.constant 256 : i32
      "tpu.region"() ({
        %run_scoped3A = tpu.sem_alloc : memref<!tpu.dma_semaphore, #tpu.memory_space<semaphore_mem>>
        tpu.enqueue_dma source(%arg9 : memref<4096xf32, #tpu.memory_space<hbm>>) target(%arg17 : memref<4096xf32, #tpu.memory_space<vmem>>) target_semaphore(%run_scoped3A : memref<!tpu.dma_semaphore, #tpu.memory_space<semaphore_mem>>)
        tpu.wait_dma2 semaphore(%run_scoped3A : memref<!tpu.dma_semaphore, #tpu.memory_space<semaphore_mem>>) src(%arg9 : memref<4096xf32, #tpu.memory_space<hbm>>) dst(%arg17 : memref<4096xf32, #tpu.memory_space<vmem>>)
        tpu.yield
      }) : () -> ()
      %scan3A_13 = arith.constant 0 : i32
      %scan3A_14 = arith.constant 256 : i32
      %scan3A_15 = arith.addi %scan3A_13, %scan3A_14 : i32
      %scan3A_16 = arith.constant 1 : i32
      scf.for %scan3A_18 = %scan3A_13 to %scan3A_15 step %scan3A_16  : i32 {
        %mul3A_19 = arith.constant 1 : i32
        %mul3A_20 = arith.muli %scan3A_18, %mul3A_19 : i32
        %add3A_21 = arith.constant 0 : i32
        %add3A_22 = arith.addi %add3A_21, %mul3A_20 : i32
        %mul3A_23 = arith.constant 16 : i32
        %mul3A_24 = arith.muli %add3A_22, %mul3A_23 : i32
        %get3A_25 = arith.index_cast %mul3A_24 : i32 to index
        %get3A_26 = tpu.vector_load %arg16[%get3A_25] {strides = array<i32>} : memref<4096xi32, #tpu.memory_space<vmem>>, vector<16xi32>,
        %sub3A = arith.subi %get3A_26, %get3A_8 : vector<16xi32>
        %get3A_27 = arith.index_cast %mul3A_24 : i32 to index
        %get3A_28 = tpu.vector_load %arg19[%get3A_27] {strides = array<i32>} : memref<4096xf32, #tpu.memory_space<vmem>>, vector<16xf32>,
        %gt3A = arith.constant 5.000000e-01 : f32
        %gt3A_29 = vector.broadcast %gt3A : f32 to vector<16xf32>
        %gt3A_30 = arith.cmpf ogt, %get3A_28, %gt3A_29 : vector<16xf32>
        %ge3A = arith.constant 0 : i32
        %ge3A_31 = vector.broadcast %ge3A : i32 to vector<16xi32>
        %ge3A_32 = arith.cmpi sge, %sub3A, %ge3A_31 : vector<16xi32>
        %and3A = arith.andi %gt3A_30, %ge3A_32 : vector<16xi1>
        %lt3A = arith.constant 16384 : i32
        %lt3A_33 = vector.broadcast %lt3A : i32 to vector<16xi32>
        %lt3A_34 = arith.cmpi slt, %sub3A, %lt3A_33 : vector<16xi32>
        %and3A_35 = arith.andi %and3A, %lt3A_34 : vector<16xi1>
        %max3A = arith.constant 0 : i32
        %max3A_36 = vector.broadcast %max3A : i32 to vector<16xi32>
        %max3A_37 = arith.maxsi %sub3A, %max3A_36 : vector<16xi32>
        %min3A = arith.constant 16383 : i32
        %min3A_38 = vector.broadcast %min3A : i32 to vector<16xi32>
        %min3A_39 = arith.minsi %max3A_37, %min3A_38 : vector<16xi32>
        %get3A_40 = arith.index_cast %mul3A_24 : i32 to index
        %get3A_41 = tpu.vector_load %arg17[%get3A_40] {strides = array<i32>} : memref<4096xf32, #tpu.memory_space<vmem>>, vector<16xf32>,
        tpu.vector_store_idx %arg14[%min3A_39], %get3A_41 masked %and3A_35 {add = true} : memref<16384xf32, #tpu.memory_space<vmem>>[vector<16xi32>], vector<16xf32>, vector<16xi1>
      }
      %scan3A_17 = arith.constant 256 : i32
      "tpu.region"() ({
        %run_scoped3A = tpu.sem_alloc : memref<!tpu.dma_semaphore, #tpu.memory_space<semaphore_mem>>
        tpu.enqueue_dma source(%arg14 : memref<16384xf32, #tpu.memory_space<vmem>>) target(%arg12 : memref<16384xf32, #tpu.memory_space<hbm>>) target_semaphore(%run_scoped3A : memref<!tpu.dma_semaphore, #tpu.memory_space<semaphore_mem>>)
        tpu.wait_dma2 semaphore(%run_scoped3A : memref<!tpu.dma_semaphore, #tpu.memory_space<semaphore_mem>>) src(%arg14 : memref<16384xf32, #tpu.memory_space<vmem>>) dst(%arg12 : memref<16384xf32, #tpu.memory_space<hbm>>)
        tpu.yield
      }) : () -> ()
    } else {
    }
    %eq3A_3 = arith.constant 1 : i32
    %eq3A_4 = arith.cmpi eq, %add3A, %eq3A_3 : i32
    %convert_element_type3A_5 = arith.extui %eq3A_4 : i1 to i32
    %cond3A_6 = arith.constant 0 : i32
    %cond3A_7 = arith.cmpi ne, %convert_element_type3A_5, %cond3A_6 : i32
    scf.if %cond3A_7 {
      "tpu.region"() ({
        %run_scoped3A = tpu.sem_alloc : memref<!tpu.dma_semaphore, #tpu.memory_space<semaphore_mem>>
        tpu.enqueue_dma source(%arg11 : memref<16384xf32, #tpu.memory_space<hbm>>) target(%arg14 : memref<16384xf32, #tpu.memory_space<vmem>>) target_semaphore(%run_scoped3A : memref<!tpu.dma_semaphore, #tpu.memory_space<semaphore_mem>>)
        tpu.wait_dma2 semaphore(%run_scoped3A : memref<!tpu.dma_semaphore, #tpu.memory_space<semaphore_mem>>) src(%arg11 : memref<16384xf32, #tpu.memory_space<hbm>>) dst(%arg14 : memref<16384xf32, #tpu.memory_space<vmem>>)
        tpu.yield
      }) : () -> ()
      "tpu.region"() ({
        %run_scoped3A = tpu.sem_alloc : memref<!tpu.dma_semaphore, #tpu.memory_space<semaphore_mem>>
        tpu.enqueue_dma source(%arg3 : memref<4096xi32, #tpu.memory_space<hbm>>) target(%arg15 : memref<4096xi32, #tpu.memory_space<vmem>>) target_semaphore(%run_scoped3A : memref<!tpu.dma_semaphore, #tpu.memory_space<semaphore_mem>>)
        tpu.wait_dma2 semaphore(%run_scoped3A : memref<!tpu.dma_semaphore, #tpu.memory_space<semaphore_mem>>) src(%arg3 : memref<4096xi32, #tpu.memory_space<hbm>>) dst(%arg15 : memref<4096xi32, #tpu.memory_space<vmem>>)
        tpu.yield
      }) : () -> ()
      "tpu.region"() ({
        %run_scoped3A = tpu.sem_alloc : memref<!tpu.dma_semaphore, #tpu.memory_space<semaphore_mem>>
        tpu.enqueue_dma source(%arg5 : memref<4096xf32, #tpu.memory_space<hbm>>) target(%arg17 : memref<4096xf32, #tpu.memory_space<vmem>>) target_semaphore(%run_scoped3A : memref<!tpu.dma_semaphore, #tpu.memory_space<semaphore_mem>>)
        tpu.wait_dma2 semaphore(%run_scoped3A : memref<!tpu.dma_semaphore, #tpu.memory_space<semaphore_mem>>) src(%arg5 : memref<4096xf32, #tpu.memory_space<hbm>>) dst(%arg17 : memref<4096xf32, #tpu.memory_space<vmem>>)
        tpu.yield
      }) : () -> ()
      "tpu.region"() ({
        %run_scoped3A = tpu.sem_alloc : memref<!tpu.dma_semaphore, #tpu.memory_space<semaphore_mem>>
        tpu.enqueue_dma source(%arg6 : memref<4096xf32, #tpu.memory_space<hbm>>) target(%arg18 : memref<4096xf32, #tpu.memory_space<vmem>>) target_semaphore(%run_scoped3A : memref<!tpu.dma_semaphore, #tpu.memory_space<semaphore_mem>>)
        tpu.wait_dma2 semaphore(%run_scoped3A : memref<!tpu.dma_semaphore, #tpu.memory_space<semaphore_mem>>) src(%arg6 : memref<4096xf32, #tpu.memory_space<hbm>>) dst(%arg18 : memref<4096xf32, #tpu.memory_space<vmem>>)
        tpu.yield
      }) : () -> ()
      "tpu.region"() ({
        %run_scoped3A = tpu.sem_alloc : memref<!tpu.dma_semaphore, #tpu.memory_space<semaphore_mem>>
        tpu.enqueue_dma source(%arg2 : memref<16xi32, #tpu.memory_space<hbm>>) target(%arg20 : memref<16xi32, #tpu.memory_space<vmem>>) target_semaphore(%run_scoped3A : memref<!tpu.dma_semaphore, #tpu.memory_space<semaphore_mem>>)
        tpu.wait_dma2 semaphore(%run_scoped3A : memref<!tpu.dma_semaphore, #tpu.memory_space<semaphore_mem>>) src(%arg2 : memref<16xi32, #tpu.memory_space<hbm>>) dst(%arg20 : memref<16xi32, #tpu.memory_space<vmem>>)
        tpu.yield
      }) : () -> ()
      %get3A = arith.constant 0 : index
      %get3A_8 = tpu.vector_load %arg20[%get3A] {strides = array<i32>} : memref<16xi32, #tpu.memory_space<vmem>>, vector<16xi32>,
      %scan3A = arith.constant 0 : i32
      %scan3A_9 = arith.constant 256 : i32
      %scan3A_10 = arith.addi %scan3A, %scan3A_9 : i32
      %scan3A_11 = arith.constant 1 : i32
      scf.for %scan3A_13 = %scan3A to %scan3A_10 step %scan3A_11  : i32 {
        %mul3A_14 = arith.constant 1 : i32
        %mul3A_15 = arith.muli %scan3A_13, %mul3A_14 : i32
        %add3A_16 = arith.constant 0 : i32
        %add3A_17 = arith.addi %add3A_16, %mul3A_15 : i32
        %mul3A_18 = arith.constant 16 : i32
        %mul3A_19 = arith.muli %add3A_17, %mul3A_18 : i32
        %get3A_20 = arith.index_cast %mul3A_19 : i32 to index
        %get3A_21 = tpu.vector_load %arg15[%get3A_20] {strides = array<i32>} : memref<4096xi32, #tpu.memory_space<vmem>>, vector<16xi32>,
        %sub3A = arith.subi %get3A_21, %get3A_8 : vector<16xi32>
        %get3A_22 = arith.index_cast %mul3A_19 : i32 to index
        %get3A_23 = tpu.vector_load %arg18[%get3A_22] {strides = array<i32>} : memref<4096xf32, #tpu.memory_space<vmem>>, vector<16xf32>,
        %gt3A = arith.constant 5.000000e-01 : f32
        %gt3A_24 = vector.broadcast %gt3A : f32 to vector<16xf32>
        %gt3A_25 = arith.cmpf ogt, %get3A_23, %gt3A_24 : vector<16xf32>
        %ge3A = arith.constant 0 : i32
        %ge3A_26 = vector.broadcast %ge3A : i32 to vector<16xi32>
        %ge3A_27 = arith.cmpi sge, %sub3A, %ge3A_26 : vector<16xi32>
        %and3A = arith.andi %gt3A_25, %ge3A_27 : vector<16xi1>
        %lt3A = arith.constant 16384 : i32
        %lt3A_28 = vector.broadcast %lt3A : i32 to vector<16xi32>
        %lt3A_29 = arith.cmpi slt, %sub3A, %lt3A_28 : vector<16xi32>
        %and3A_30 = arith.andi %and3A, %lt3A_29 : vector<16xi1>
        %max3A = arith.constant 0 : i32
        %max3A_31 = vector.broadcast %max3A : i32 to vector<16xi32>
        %max3A_32 = arith.maxsi %sub3A, %max3A_31 : vector<16xi32>
        %min3A = arith.constant 16383 : i32
        %min3A_33 = vector.broadcast %min3A : i32 to vector<16xi32>
        %min3A_34 = arith.minsi %max3A_32, %min3A_33 : vector<16xi32>
        %get3A_35 = arith.index_cast %mul3A_19 : i32 to index
        %get3A_36 = tpu.vector_load %arg17[%get3A_35] {strides = array<i32>} : memref<4096xf32, #tpu.memory_space<vmem>>, vector<16xf32>,
        tpu.vector_store_idx %arg14[%min3A_34], %get3A_36 masked %and3A_30 : memref<16384xf32, #tpu.memory_space<vmem>>[vector<16xi32>], vector<16xf32>, vector<16xi1>
      }
      %scan3A_12 = arith.constant 256 : i32
      "tpu.region"() ({
        %run_scoped3A = tpu.sem_alloc : memref<!tpu.dma_semaphore, #tpu.memory_space<semaphore_mem>>
        tpu.enqueue_dma source(%arg14 : memref<16384xf32, #tpu.memory_space<vmem>>) target(%arg13 : memref<16384xf32, #tpu.memory_space<hbm>>) target_semaphore(%run_scoped3A : memref<!tpu.dma_semaphore, #tpu.memory_space<semaphore_mem>>)
        tpu.wait_dma2 semaphore(%run_scoped3A : memref<!tpu.dma_semaphore, #tpu.memory_space<semaphore_mem>>) src(%arg14 : memref<16384xf32, #tpu.memory_space<vmem>>) dst(%arg13 : memref<16384xf32, #tpu.memory_space<hbm>>)
        tpu.yield
      }) : () -> ()
    } else {
    }
    return
  }
}

module attributes {stable_mosaic.version = 14 : i64} {
  func.func @_prep_kernel(%arg0: i32, %arg1: memref<4096x1xi32, #tpu.memory_space<vmem>>, %arg2: memref<4096x1xi32, #tpu.memory_space<vmem>>, %arg3: memref<1x512xi32, #tpu.memory_space<vmem>>, %arg4: memref<1x512xi32, #tpu.memory_space<vmem>>, %arg5: memref<1x512xf32, #tpu.memory_space<vmem>>, %arg6: memref<1x512xf32, #tpu.memory_space<vmem>>, %arg7: memref<1x512xf32, #tpu.memory_space<vmem>>, %arg8: memref<1x512xf32, #tpu.memory_space<vmem>>) attributes {dimension_semantics = [#tpu.dimension_semantics<arbitrary>], iteration_bounds = array<i64: 8>, scalar_prefetch = 0 : i64, scratch_operands = 0 : i64, tpu.core_type = #tpu.core_type<tc>, window_params = [{pipeline_mode = #tpu.pipeline_mode<synchronous>, transform_indices = @transform_0, window_bounds = array<i64: 4096, 1>}, {pipeline_mode = #tpu.pipeline_mode<synchronous>, transform_indices = @transform_1, window_bounds = array<i64: 4096, 1>}, {transform_indices = @transform_2, window_bounds = array<i64: 1, 512>}, {transform_indices = @transform_3, window_bounds = array<i64: 1, 512>}, {transform_indices = @transform_4, window_bounds = array<i64: 1, 512>}, {transform_indices = @transform_5, window_bounds = array<i64: 1, 512>}, {transform_indices = @transform_6, window_bounds = array<i64: 1, 512>}, {transform_indices = @transform_7, window_bounds = array<i64: 1, 512>}]} {
    %get3A = arith.constant 0 : index
    %get3A_0 = arith.constant 0 : index
    %get3A_1 = vector.load %arg1[%get3A, %get3A_0] : memref<4096x1xi32, #tpu.memory_space<vmem>>, vector<4096x1xi32>
    %get3A_2 = arith.constant 0 : index
    %get3A_3 = arith.constant 0 : index
    %get3A_4 = vector.load %arg2[%get3A_2, %get3A_3] : memref<4096x1xi32, #tpu.memory_space<vmem>>, vector<4096x1xi32>
    %get3A_5 = arith.constant 0 : index
    %get3A_6 = arith.constant 0 : index
    %get3A_7 = vector.load %arg3[%get3A_5, %get3A_6] : memref<1x512xi32, #tpu.memory_space<vmem>>, vector<1x512xi32>
    %get3A_8 = arith.constant 0 : index
    %get3A_9 = arith.constant 0 : index
    %get3A_10 = vector.load %arg4[%get3A_8, %get3A_9] : memref<1x512xi32, #tpu.memory_space<vmem>>, vector<1x512xi32>
    %iota3A = tpu.iota {dimensions = array<i32: 0>} : vector<4096x1xi32>
    %iota3A_11 = tpu.iota {dimensions = array<i32: 1>} : vector<1x512xi32>
    %mul3A = arith.constant 512 : i32
    %mul3A_12 = arith.muli %arg0, %mul3A : i32
    %add3A = vector.broadcast %mul3A_12 : i32 to vector<1x512xi32>
    %add3A_13 = arith.addi %iota3A_11, %add3A : vector<1x512xi32>
    %eq3A = vector.broadcast %get3A_1 : vector<4096x1xi32> to vector<4096x512xi32>
    %eq3A_14 = vector.broadcast %get3A_7 : vector<1x512xi32> to vector<4096x512xi32>
    %eq3A_15 = arith.cmpi eq, %eq3A, %eq3A_14 : vector<4096x512xi32>
    %jit3A = arith.constant 1.000000e+00 : f32
    %jit3A_16 = arith.constant 0.000000e+00 : f32
    %broadcast_in_dim3A = vector.broadcast %jit3A : f32 to vector<4096x512xf32>
    %broadcast_in_dim3A_17 = vector.broadcast %jit3A_16 : f32 to vector<4096x512xf32>
    %select_n3A = arith.select %eq3A_15, %broadcast_in_dim3A, %broadcast_in_dim3A_17 : vector<4096x512xi1>, vector<4096x512xf32>
    %reduce_sum3A = arith.constant dense<0.000000e+00> : vector<512xf32>
    %reduce_sum3A_18 = vector.multi_reduction <add>, %select_n3A, %reduce_sum3A [0] : vector<4096x512xf32> to vector<512xf32>
    %broadcast_in_dim3A_19 = vector.shape_cast %reduce_sum3A_18 : vector<512xf32> to vector<1x512xf32>
    %swap3A = arith.constant 0 : index
    %swap3A_20 = arith.constant 0 : index
    %swap3A_21 = vector.load %arg5[%swap3A, %swap3A_20] : memref<1x512xf32, #tpu.memory_space<vmem>>, vector<1x512xf32>
    tpu.vector_store %arg5[%swap3A, %swap3A_20], %broadcast_in_dim3A_19 {strides = array<i32>} : memref<1x512xf32, #tpu.memory_space<vmem>>, vector<1x512xf32>,
    %gt3A = vector.broadcast %iota3A : vector<4096x1xi32> to vector<4096x512xi32>
    %gt3A_22 = vector.broadcast %add3A_13 : vector<1x512xi32> to vector<4096x512xi32>
    %gt3A_23 = arith.cmpi sgt, %gt3A, %gt3A_22 : vector<4096x512xi32>
    %and3A = arith.andi %eq3A_15, %gt3A_23 : vector<4096x512xi1>
    %jit3A_24 = arith.constant 1.000000e+00 : f32
    %jit3A_25 = arith.constant 0.000000e+00 : f32
    %broadcast_in_dim3A_26 = vector.broadcast %jit3A_24 : f32 to vector<4096x512xf32>
    %broadcast_in_dim3A_27 = vector.broadcast %jit3A_25 : f32 to vector<4096x512xf32>
    %select_n3A_28 = arith.select %and3A, %broadcast_in_dim3A_26, %broadcast_in_dim3A_27 : vector<4096x512xi1>, vector<4096x512xf32>
    %reduce_sum3A_29 = arith.constant dense<0.000000e+00> : vector<512xf32>
    %reduce_sum3A_30 = vector.multi_reduction <add>, %select_n3A_28, %reduce_sum3A_29 [0] : vector<4096x512xf32> to vector<512xf32>
    %broadcast_in_dim3A_31 = vector.shape_cast %reduce_sum3A_30 : vector<512xf32> to vector<1x512xf32>
    %eq3A_32 = arith.constant 0.000000e+00 : f32
    %eq3A_33 = vector.broadcast %eq3A_32 : f32 to vector<1x512xf32>
    %eq3A_34 = arith.cmpf oeq, %broadcast_in_dim3A_31, %eq3A_33 : vector<1x512xf32>
    %jit3A_35 = arith.constant 1.000000e+00 : f32
    %jit3A_36 = arith.constant 0.000000e+00 : f32
    %broadcast_in_dim3A_37 = vector.broadcast %jit3A_35 : f32 to vector<1x512xf32>
    %broadcast_in_dim3A_38 = vector.broadcast %jit3A_36 : f32 to vector<1x512xf32>
    %select_n3A_39 = arith.select %eq3A_34, %broadcast_in_dim3A_37, %broadcast_in_dim3A_38 : vector<1x512xi1>, vector<1x512xf32>
    %swap3A_40 = arith.constant 0 : index
    %swap3A_41 = arith.constant 0 : index
    %swap3A_42 = vector.load %arg7[%swap3A_40, %swap3A_41] : memref<1x512xf32, #tpu.memory_space<vmem>>, vector<1x512xf32>
    tpu.vector_store %arg7[%swap3A_40, %swap3A_41], %select_n3A_39 {strides = array<i32>} : memref<1x512xf32, #tpu.memory_space<vmem>>, vector<1x512xf32>,
    %eq3A_43 = vector.broadcast %get3A_4 : vector<4096x1xi32> to vector<4096x512xi32>
    %eq3A_44 = vector.broadcast %get3A_10 : vector<1x512xi32> to vector<4096x512xi32>
    %eq3A_45 = arith.cmpi eq, %eq3A_43, %eq3A_44 : vector<4096x512xi32>
    %jit3A_46 = arith.constant 1.000000e+00 : f32
    %jit3A_47 = arith.constant 0.000000e+00 : f32
    %broadcast_in_dim3A_48 = vector.broadcast %jit3A_46 : f32 to vector<4096x512xf32>
    %broadcast_in_dim3A_49 = vector.broadcast %jit3A_47 : f32 to vector<4096x512xf32>
    %select_n3A_50 = arith.select %eq3A_45, %broadcast_in_dim3A_48, %broadcast_in_dim3A_49 : vector<4096x512xi1>, vector<4096x512xf32>
    %reduce_sum3A_51 = arith.constant dense<0.000000e+00> : vector<512xf32>
    %reduce_sum3A_52 = vector.multi_reduction <add>, %select_n3A_50, %reduce_sum3A_51 [0] : vector<4096x512xf32> to vector<512xf32>
    %broadcast_in_dim3A_53 = vector.shape_cast %reduce_sum3A_52 : vector<512xf32> to vector<1x512xf32>
    %swap3A_54 = arith.constant 0 : index
    %swap3A_55 = arith.constant 0 : index
    %swap3A_56 = vector.load %arg6[%swap3A_54, %swap3A_55] : memref<1x512xf32, #tpu.memory_space<vmem>>, vector<1x512xf32>
    tpu.vector_store %arg6[%swap3A_54, %swap3A_55], %broadcast_in_dim3A_53 {strides = array<i32>} : memref<1x512xf32, #tpu.memory_space<vmem>>, vector<1x512xf32>,
    %gt3A_57 = vector.broadcast %iota3A : vector<4096x1xi32> to vector<4096x512xi32>
    %gt3A_58 = vector.broadcast %add3A_13 : vector<1x512xi32> to vector<4096x512xi32>
    %gt3A_59 = arith.cmpi sgt, %gt3A_57, %gt3A_58 : vector<4096x512xi32>
    %and3A_60 = arith.andi %eq3A_45, %gt3A_59 : vector<4096x512xi1>
    %jit3A_61 = arith.constant 1.000000e+00 : f32
    %jit3A_62 = arith.constant 0.000000e+00 : f32
    %broadcast_in_dim3A_63 = vector.broadcast %jit3A_61 : f32 to vector<4096x512xf32>
    %broadcast_in_dim3A_64 = vector.broadcast %jit3A_62 : f32 to vector<4096x512xf32>
    %select_n3A_65 = arith.select %and3A_60, %broadcast_in_dim3A_63, %broadcast_in_dim3A_64 : vector<4096x512xi1>, vector<4096x512xf32>
    %reduce_sum3A_66 = arith.constant dense<0.000000e+00> : vector<512xf32>
    %reduce_sum3A_67 = vector.multi_reduction <add>, %select_n3A_65, %reduce_sum3A_66 [0] : vector<4096x512xf32> to vector<512xf32>
    %broadcast_in_dim3A_68 = vector.shape_cast %reduce_sum3A_67 : vector<512xf32> to vector<1x512xf32>
    %eq3A_69 = arith.constant 0.000000e+00 : f32
    %eq3A_70 = vector.broadcast %eq3A_69 : f32 to vector<1x512xf32>
    %eq3A_71 = arith.cmpf oeq, %broadcast_in_dim3A_68, %eq3A_70 : vector<1x512xf32>
    %jit3A_72 = arith.constant 1.000000e+00 : f32
    %jit3A_73 = arith.constant 0.000000e+00 : f32
    %broadcast_in_dim3A_74 = vector.broadcast %jit3A_72 : f32 to vector<1x512xf32>
    %broadcast_in_dim3A_75 = vector.broadcast %jit3A_73 : f32 to vector<1x512xf32>
    %select_n3A_76 = arith.select %eq3A_71, %broadcast_in_dim3A_74, %broadcast_in_dim3A_75 : vector<1x512xi1>, vector<1x512xf32>
    %swap3A_77 = arith.constant 0 : index
    %swap3A_78 = arith.constant 0 : index
    %swap3A_79 = vector.load %arg8[%swap3A_77, %swap3A_78] : memref<1x512xf32, #tpu.memory_space<vmem>>, vector<1x512xf32>
    tpu.vector_store %arg8[%swap3A_77, %swap3A_78], %select_n3A_76 {strides = array<i32>} : memref<1x512xf32, #tpu.memory_space<vmem>>, vector<1x512xf32>,
    return
  }
  func.func @transform_0(%arg0: i32) -> (i32, i32) {
    %c0_i32 = arith.constant 0 : i32
    %c0_i32_0 = arith.constant 0 : i32
    %c0_i32_1 = arith.constant 0 : i32
    return %c0_i32, %c0_i32_0 : i32, i32
  }
  func.func @transform_1(%arg0: i32) -> (i32, i32) {
    %c0_i32 = arith.constant 0 : i32
    %c0_i32_0 = arith.constant 0 : i32
    %c0_i32_1 = arith.constant 0 : i32
    return %c0_i32, %c0_i32_0 : i32, i32
  }
  func.func @transform_2(%arg0: i32) -> (i32, i32) {
    %c0_i32 = arith.constant 0 : i32
    %c0_i32_0 = arith.constant 0 : i32
    return %c0_i32, %arg0 : i32, i32
  }
  func.func @transform_3(%arg0: i32) -> (i32, i32) {
    %c0_i32 = arith.constant 0 : i32
    %c0_i32_0 = arith.constant 0 : i32
    return %c0_i32, %arg0 : i32, i32
  }
  func.func @transform_4(%arg0: i32) -> (i32, i32) {
    %c0_i32 = arith.constant 0 : i32
    %c0_i32_0 = arith.constant 0 : i32
    return %c0_i32, %arg0 : i32, i32
  }
  func.func @transform_5(%arg0: i32) -> (i32, i32) {
    %c0_i32 = arith.constant 0 : i32
    %c0_i32_0 = arith.constant 0 : i32
    return %c0_i32, %arg0 : i32, i32
  }
  func.func @transform_6(%arg0: i32) -> (i32, i32) {
    %c0_i32 = arith.constant 0 : i32
    %c0_i32_0 = arith.constant 0 : i32
    return %c0_i32, %arg0 : i32, i32
  }
  func.func @transform_7(%arg0: i32) -> (i32, i32) {
    %c0_i32 = arith.constant 0 : i32
    %c0_i32_0 = arith.constant 0 : i32
    return %c0_i32, %arg0 : i32, i32
  }
}

module attributes {stable_mosaic.version = 14 : i64} {
  func.func @_top2_kernel(%arg0: i32, %arg1: i32, %arg2: memref<1x1xi32, #tpu.memory_space<smem>>, %arg3: memref<2048x512xf32, #tpu.memory_space<vmem>>, %arg4: memref<512x512xf32, #tpu.memory_space<vmem>>, %arg5: memref<1x2048xi32, #tpu.memory_space<vmem>>, %arg6: memref<1x2048xi32, #tpu.memory_space<vmem>>, %arg7: memref<1x2048xf32, #tpu.memory_space<vmem>>, %arg8: memref<1x2048xf32, #tpu.memory_space<vmem>>, %arg9: memref<1x2048xf32, #tpu.memory_space<vmem>>, %arg10: memref<1x2048xf32, #tpu.memory_space<vmem>>, %arg11: memref<1x2048xi32, #tpu.memory_space<vmem>>, %arg12: memref<1x2048xf32, #tpu.memory_space<vmem>>, %arg13: memref<1x2048xi32, #tpu.memory_space<vmem>>) attributes {dimension_semantics = [#tpu.dimension_semantics<parallel>, #tpu.dimension_semantics<arbitrary>], iteration_bounds = array<i64: 2, 32>, scalar_prefetch = 0 : i64, scratch_operands = 5 : i64, tpu.core_type = #tpu.core_type<tc>, window_params = [{transform_indices = @transform_0, window_bounds = array<i64: 1, 1>}, {transform_indices = @transform_1, window_bounds = array<i64: 2048, 512>}, {transform_indices = @transform_2, window_bounds = array<i64: 512, 512>}, {transform_indices = @transform_3, window_bounds = array<i64: 1, 2048>}, {transform_indices = @transform_4, window_bounds = array<i64: 1, 2048>}, {transform_indices = @transform_5, window_bounds = array<i64: 1, 2048>}, {transform_indices = @transform_6, window_bounds = array<i64: 1, 2048>}]} {
    %get3A = arith.constant 0 : index
    %get3A_0 = arith.constant 0 : index
    %get3A_1 = vector.load %arg3[%get3A, %get3A_0] : memref<2048x512xf32, #tpu.memory_space<vmem>>, vector<2048x512xf32>
    %eq3A = arith.constant 0 : i32
    %eq3A_2 = arith.cmpi eq, %arg1, %eq3A : i32
    %convert_element_type3A = arith.extui %eq3A_2 : i1 to i32
    %cond3A = arith.constant 0 : i32
    %cond3A_3 = arith.cmpi ne, %convert_element_type3A, %cond3A : i32
    scf.if %cond3A_3 {
      %broadcast_in_dim3A_102 = arith.constant 1.000000e+00 : f32
      %broadcast_in_dim3A_103 = vector.broadcast %broadcast_in_dim3A_102 : f32 to vector<1x512xf32>
      %mul3A_104 = arith.mulf %get3A_1, %get3A_1 : vector<2048x512xf32>
      %dot_general3A_105 = arith.constant dense<0.000000e+00> : vector<1x2048xf32>
      %dot_general3A_106 = tpu.matmul %broadcast_in_dim3A_103, %mul3A_104, %dot_general3A_105 {dimension_numbers = #tpu.dot_dimension_numbers<[1], [1], [0], [0], [0, 0, 1, 0], [], []>, transpose_lhs_hint = false} : vector<1x512xf32>, vector<2048x512xf32>, vector<1x2048xf32> -> vector<1x2048xf32>
      %swap3A_107 = arith.constant 0 : index
      %swap3A_108 = arith.constant 0 : index
      %swap3A_109 = vector.load %arg9[%swap3A_107, %swap3A_108] : memref<1x2048xf32, #tpu.memory_space<vmem>>, vector<1x2048xf32>
      tpu.vector_store %arg9[%swap3A_107, %swap3A_108], %dot_general3A_106 {strides = array<i32>} : memref<1x2048xf32, #tpu.memory_space<vmem>>, vector<1x2048xf32>,
      %broadcast_in_dim3A_110 = arith.constant 0x7F800000 : f32
      %broadcast_in_dim3A_111 = vector.broadcast %broadcast_in_dim3A_110 : f32 to vector<1x2048xf32>
      %swap3A_112 = arith.constant 0 : index
      %swap3A_113 = arith.constant 0 : index
      %swap3A_114 = vector.load %arg10[%swap3A_112, %swap3A_113] : memref<1x2048xf32, #tpu.memory_space<vmem>>, vector<1x2048xf32>
      tpu.vector_store %arg10[%swap3A_112, %swap3A_113], %broadcast_in_dim3A_111 {strides = array<i32>} : memref<1x2048xf32, #tpu.memory_space<vmem>>, vector<1x2048xf32>,
      %broadcast_in_dim3A_115 = arith.constant 0x7F800000 : f32
      %broadcast_in_dim3A_116 = vector.broadcast %broadcast_in_dim3A_115 : f32 to vector<1x2048xf32>
      %swap3A_117 = arith.constant 0 : index
      %swap3A_118 = arith.constant 0 : index
      %swap3A_119 = vector.load %arg12[%swap3A_117, %swap3A_118] : memref<1x2048xf32, #tpu.memory_space<vmem>>, vector<1x2048xf32>
      tpu.vector_store %arg12[%swap3A_117, %swap3A_118], %broadcast_in_dim3A_116 {strides = array<i32>} : memref<1x2048xf32, #tpu.memory_space<vmem>>, vector<1x2048xf32>,
      %broadcast_in_dim3A_120 = arith.constant 0 : i32
      %broadcast_in_dim3A_121 = vector.broadcast %broadcast_in_dim3A_120 : i32 to vector<1x2048xi32>
      %swap3A_122 = arith.constant 0 : index
      %swap3A_123 = arith.constant 0 : index
      %swap3A_124 = vector.load %arg11[%swap3A_122, %swap3A_123] : memref<1x2048xi32, #tpu.memory_space<vmem>>, vector<1x2048xi32>
      tpu.vector_store %arg11[%swap3A_122, %swap3A_123], %broadcast_in_dim3A_121 {strides = array<i32>} : memref<1x2048xi32, #tpu.memory_space<vmem>>, vector<1x2048xi32>,
      %broadcast_in_dim3A_125 = arith.constant 0 : i32
      %broadcast_in_dim3A_126 = vector.broadcast %broadcast_in_dim3A_125 : i32 to vector<1x2048xi32>
      %swap3A_127 = arith.constant 0 : index
      %swap3A_128 = arith.constant 0 : index
      %swap3A_129 = vector.load %arg13[%swap3A_127, %swap3A_128] : memref<1x2048xi32, #tpu.memory_space<vmem>>, vector<1x2048xi32>
      tpu.vector_store %arg13[%swap3A_127, %swap3A_128], %broadcast_in_dim3A_126 {strides = array<i32>} : memref<1x2048xi32, #tpu.memory_space<vmem>>, vector<1x2048xi32>,
    } else {
    }
    %get3A_4 = arith.constant 0 : index
    %get3A_5 = arith.constant 0 : index
    %get3A_6 = vector.load %arg4[%get3A_4, %get3A_5] : memref<512x512xf32, #tpu.memory_space<vmem>>, vector<512x512xf32>
    %broadcast_in_dim3A = arith.constant 1.000000e+00 : f32
    %broadcast_in_dim3A_7 = vector.broadcast %broadcast_in_dim3A : f32 to vector<1x512xf32>
    %mul3A = arith.mulf %get3A_6, %get3A_6 : vector<512x512xf32>
    %dot_general3A = arith.constant dense<0.000000e+00> : vector<512x1xf32>
    %dot_general3A_8 = tpu.matmul %mul3A, %broadcast_in_dim3A_7, %dot_general3A {dimension_numbers = #tpu.dot_dimension_numbers<[1], [1], [0], [0], [0, 0, 1, 0], [], []>, transpose_lhs_hint = false} : vector<512x512xf32>, vector<1x512xf32>, vector<512x1xf32> -> vector<512x1xf32>
    %dot_general3A_9 = arith.constant dense<0.000000e+00> : vector<512x2048xf32>
    %dot_general3A_10 = tpu.matmul %get3A_6, %get3A_1, %dot_general3A_9 {dimension_numbers = #tpu.dot_dimension_numbers<[1], [1], [0], [0], [0, 0, 1, 0], [], []>, transpose_lhs_hint = false} : vector<512x512xf32>, vector<2048x512xf32>, vector<512x2048xf32> -> vector<512x2048xf32>
    %get3A_11 = arith.constant 0 : index
    %get3A_12 = arith.constant 0 : index
    %get3A_13 = vector.load %arg9[%get3A_11, %get3A_12] : memref<1x2048xf32, #tpu.memory_space<vmem>>, vector<1x2048xf32>
    %add3A = vector.broadcast %get3A_13 : vector<1x2048xf32> to vector<512x2048xf32>
    %add3A_14 = vector.broadcast %dot_general3A_8 : vector<512x1xf32> to vector<512x2048xf32>
    %add3A_15 = arith.addf %add3A, %add3A_14 : vector<512x2048xf32>
    %mul3A_16 = arith.constant 2.000000e+00 : f32
    %mul3A_17 = vector.broadcast %mul3A_16 : f32 to vector<512x2048xf32>
    %mul3A_18 = arith.mulf %mul3A_17, %dot_general3A_10 : vector<512x2048xf32>
    %sub3A = arith.subf %add3A_15, %mul3A_18 : vector<512x2048xf32>
    %max3A = arith.constant 0.000000e+00 : f32
    %max3A_19 = vector.broadcast %max3A : f32 to vector<512x2048xf32>
    %max3A_20 = arith.maximumf %sub3A, %max3A_19 : vector<512x2048xf32>
    %iota3A = tpu.iota {dimensions = array<i32: 0>} : vector<512x2048xi32>
    %reduce_min3A = arith.constant dense<0x7F800000> : vector<2048xf32>
    %reduce_min3A_21 = vector.multi_reduction <minimumf>, %max3A_20, %reduce_min3A [0] : vector<512x2048xf32> to vector<2048xf32>
    %broadcast_in_dim3A_22 = vector.shape_cast %reduce_min3A_21 : vector<2048xf32> to vector<1x2048xf32>
    %eq3A_23 = vector.broadcast %broadcast_in_dim3A_22 : vector<1x2048xf32> to vector<512x2048xf32>
    %eq3A_24 = arith.cmpf oeq, %max3A_20, %eq3A_23 : vector<512x2048xf32>
    %jit3A = arith.constant 2147483647 : i32
    %broadcast_in_dim3A_25 = vector.broadcast %jit3A : i32 to vector<512x2048xi32>
    %select_n3A = arith.select %eq3A_24, %iota3A, %broadcast_in_dim3A_25 : vector<512x2048xi1>, vector<512x2048xi32>
    %reduce_min3A_26 = arith.constant dense<2147483647> : vector<2048xi32>
    %reduce_min3A_27 = vector.multi_reduction <minsi>, %select_n3A, %reduce_min3A_26 [0] : vector<512x2048xi32> to vector<2048xi32>
    %broadcast_in_dim3A_28 = vector.shape_cast %reduce_min3A_27 : vector<2048xi32> to vector<1x2048xi32>
    %eq3A_29 = vector.broadcast %broadcast_in_dim3A_28 : vector<1x2048xi32> to vector<512x2048xi32>
    %eq3A_30 = arith.cmpi eq, %iota3A, %eq3A_29 : vector<512x2048xi32>
    %jit3A_31 = arith.constant 0x7F800000 : f32
    %broadcast_in_dim3A_32 = vector.broadcast %jit3A_31 : f32 to vector<512x2048xf32>
    %select_n3A_33 = arith.select %eq3A_30, %broadcast_in_dim3A_32, %max3A_20 : vector<512x2048xi1>, vector<512x2048xf32>
    %reduce_min3A_34 = arith.constant dense<0x7F800000> : vector<2048xf32>
    %reduce_min3A_35 = vector.multi_reduction <minimumf>, %select_n3A_33, %reduce_min3A_34 [0] : vector<512x2048xf32> to vector<2048xf32>
    %broadcast_in_dim3A_36 = vector.shape_cast %reduce_min3A_35 : vector<2048xf32> to vector<1x2048xf32>
    %eq3A_37 = vector.broadcast %broadcast_in_dim3A_36 : vector<1x2048xf32> to vector<512x2048xf32>
    %eq3A_38 = arith.cmpf oeq, %select_n3A_33, %eq3A_37 : vector<512x2048xf32>
    %jit3A_39 = arith.constant 2147483647 : i32
    %broadcast_in_dim3A_40 = vector.broadcast %jit3A_39 : i32 to vector<512x2048xi32>
    %select_n3A_41 = arith.select %eq3A_38, %iota3A, %broadcast_in_dim3A_40 : vector<512x2048xi1>, vector<512x2048xi32>
    %reduce_min3A_42 = arith.constant dense<2147483647> : vector<2048xi32>
    %reduce_min3A_43 = vector.multi_reduction <minsi>, %select_n3A_41, %reduce_min3A_42 [0] : vector<512x2048xi32> to vector<2048xi32>
    %broadcast_in_dim3A_44 = vector.shape_cast %reduce_min3A_43 : vector<2048xi32> to vector<1x2048xi32>
    %mul3A_45 = arith.constant 512 : i32
    %mul3A_46 = arith.muli %arg1, %mul3A_45 : i32
    %add3A_47 = vector.broadcast %mul3A_46 : i32 to vector<1x2048xi32>
    %add3A_48 = arith.addi %broadcast_in_dim3A_28, %add3A_47 : vector<1x2048xi32>
    %mul3A_49 = arith.constant 512 : i32
    %mul3A_50 = arith.muli %arg1, %mul3A_49 : i32
    %add3A_51 = vector.broadcast %mul3A_50 : i32 to vector<1x2048xi32>
    %add3A_52 = arith.addi %broadcast_in_dim3A_44, %add3A_51 : vector<1x2048xi32>
    %sqrt3A = math.sqrt %broadcast_in_dim3A_22 : vector<1x2048xf32>
    %sqrt3A_53 = math.sqrt %broadcast_in_dim3A_36 : vector<1x2048xf32>
    %get3A_54 = arith.constant 0 : index
    %get3A_55 = arith.constant 0 : index
    %get3A_56 = vector.load %arg10[%get3A_54, %get3A_55] : memref<1x2048xf32, #tpu.memory_space<vmem>>, vector<1x2048xf32>
    %get3A_57 = arith.constant 0 : index
    %get3A_58 = arith.constant 0 : index
    %get3A_59 = vector.load %arg11[%get3A_57, %get3A_58] : memref<1x2048xi32, #tpu.memory_space<vmem>>, vector<1x2048xi32>
    %get3A_60 = arith.constant 0 : index
    %get3A_61 = arith.constant 0 : index
    %get3A_62 = vector.load %arg12[%get3A_60, %get3A_61] : memref<1x2048xf32, #tpu.memory_space<vmem>>, vector<1x2048xf32>
    %get3A_63 = arith.constant 0 : index
    %get3A_64 = arith.constant 0 : index
    %get3A_65 = vector.load %arg13[%get3A_63, %get3A_64] : memref<1x2048xi32, #tpu.memory_space<vmem>>, vector<1x2048xi32>
    %lt3A = arith.cmpf olt, %get3A_56, %sqrt3A : vector<1x2048xf32>
    %eq3A_66 = arith.cmpf oeq, %get3A_56, %sqrt3A : vector<1x2048xf32>
    %lt3A_67 = arith.cmpi slt, %get3A_59, %add3A_48 : vector<1x2048xi32>
    %and3A = arith.andi %eq3A_66, %lt3A_67 : vector<1x2048xi1>
    %or3A = arith.ori %lt3A, %and3A : vector<1x2048xi1>
    %select_n3A_68 = arith.select %or3A, %get3A_56, %sqrt3A : vector<1x2048xi1>, vector<1x2048xf32>
    %select_n3A_69 = arith.select %or3A, %get3A_59, %add3A_48 : vector<1x2048xi1>, vector<1x2048xi32>
    %select_n3A_70 = arith.select %or3A, %sqrt3A, %get3A_56 : vector<1x2048xi1>, vector<1x2048xf32>
    %select_n3A_71 = arith.select %or3A, %add3A_48, %get3A_59 : vector<1x2048xi1>, vector<1x2048xi32>
    %lt3A_72 = arith.cmpf olt, %get3A_62, %sqrt3A_53 : vector<1x2048xf32>
    %eq3A_73 = arith.cmpf oeq, %get3A_62, %sqrt3A_53 : vector<1x2048xf32>
    %lt3A_74 = arith.cmpi slt, %get3A_65, %add3A_52 : vector<1x2048xi32>
    %and3A_75 = arith.andi %eq3A_73, %lt3A_74 : vector<1x2048xi1>
    %or3A_76 = arith.ori %lt3A_72, %and3A_75 : vector<1x2048xi1>
    %select_n3A_77 = arith.select %or3A_76, %get3A_62, %sqrt3A_53 : vector<1x2048xi1>, vector<1x2048xf32>
    %select_n3A_78 = arith.select %or3A_76, %get3A_65, %add3A_52 : vector<1x2048xi1>, vector<1x2048xi32>
    %lt3A_79 = arith.cmpf olt, %select_n3A_70, %select_n3A_77 : vector<1x2048xf32>
    %eq3A_80 = arith.cmpf oeq, %select_n3A_70, %select_n3A_77 : vector<1x2048xf32>
    %lt3A_81 = arith.cmpi slt, %select_n3A_71, %select_n3A_78 : vector<1x2048xi32>
    %and3A_82 = arith.andi %eq3A_80, %lt3A_81 : vector<1x2048xi1>
    %or3A_83 = arith.ori %lt3A_79, %and3A_82 : vector<1x2048xi1>
    %select_n3A_84 = arith.select %or3A_83, %select_n3A_70, %select_n3A_77 : vector<1x2048xi1>, vector<1x2048xf32>
    %select_n3A_85 = arith.select %or3A_83, %select_n3A_71, %select_n3A_78 : vector<1x2048xi1>, vector<1x2048xi32>
    %swap3A = arith.constant 0 : index
    %swap3A_86 = arith.constant 0 : index
    %swap3A_87 = vector.load %arg10[%swap3A, %swap3A_86] : memref<1x2048xf32, #tpu.memory_space<vmem>>, vector<1x2048xf32>
    tpu.vector_store %arg10[%swap3A, %swap3A_86], %select_n3A_68 {strides = array<i32>} : memref<1x2048xf32, #tpu.memory_space<vmem>>, vector<1x2048xf32>,
    %swap3A_88 = arith.constant 0 : index
    %swap3A_89 = arith.constant 0 : index
    %swap3A_90 = vector.load %arg11[%swap3A_88, %swap3A_89] : memref<1x2048xi32, #tpu.memory_space<vmem>>, vector<1x2048xi32>
    tpu.vector_store %arg11[%swap3A_88, %swap3A_89], %select_n3A_69 {strides = array<i32>} : memref<1x2048xi32, #tpu.memory_space<vmem>>, vector<1x2048xi32>,
    %swap3A_91 = arith.constant 0 : index
    %swap3A_92 = arith.constant 0 : index
    %swap3A_93 = vector.load %arg12[%swap3A_91, %swap3A_92] : memref<1x2048xf32, #tpu.memory_space<vmem>>, vector<1x2048xf32>
    tpu.vector_store %arg12[%swap3A_91, %swap3A_92], %select_n3A_84 {strides = array<i32>} : memref<1x2048xf32, #tpu.memory_space<vmem>>, vector<1x2048xf32>,
    %swap3A_94 = arith.constant 0 : index
    %swap3A_95 = arith.constant 0 : index
    %swap3A_96 = vector.load %arg13[%swap3A_94, %swap3A_95] : memref<1x2048xi32, #tpu.memory_space<vmem>>, vector<1x2048xi32>
    tpu.vector_store %arg13[%swap3A_94, %swap3A_95], %select_n3A_85 {strides = array<i32>} : memref<1x2048xi32, #tpu.memory_space<vmem>>, vector<1x2048xi32>,
    %eq3A_97 = arith.constant 31 : i32
    %eq3A_98 = arith.cmpi eq, %arg1, %eq3A_97 : i32
    %convert_element_type3A_99 = arith.extui %eq3A_98 : i1 to i32
    %cond3A_100 = arith.constant 0 : i32
    %cond3A_101 = arith.cmpi ne, %convert_element_type3A_99, %cond3A_100 : i32
    scf.if %cond3A_101 {
      %get3A_102 = arith.constant 0 : index
      %get3A_103 = arith.constant 0 : index
      %get3A_104 = memref.load %arg2[%get3A_102, %get3A_103] : memref<1x1xi32, #tpu.memory_space<smem>>
      %get3A_105 = arith.constant 0 : index
      %get3A_106 = arith.constant 0 : index
      %get3A_107 = vector.load %arg11[%get3A_105, %get3A_106] : memref<1x2048xi32, #tpu.memory_space<vmem>>, vector<1x2048xi32>
      %add3A_108 = vector.broadcast %get3A_104 : i32 to vector<1x2048xi32>
      %add3A_109 = arith.addi %get3A_107, %add3A_108 : vector<1x2048xi32>
      %swap3A_110 = arith.constant 0 : index
      %swap3A_111 = arith.constant 0 : index
      %swap3A_112 = vector.load %arg5[%swap3A_110, %swap3A_111] : memref<1x2048xi32, #tpu.memory_space<vmem>>, vector<1x2048xi32>
      tpu.vector_store %arg5[%swap3A_110, %swap3A_111], %add3A_109 {strides = array<i32>} : memref<1x2048xi32, #tpu.memory_space<vmem>>, vector<1x2048xi32>,
      %get3A_113 = arith.constant 0 : index
      %get3A_114 = arith.constant 0 : index
      %get3A_115 = vector.load %arg13[%get3A_113, %get3A_114] : memref<1x2048xi32, #tpu.memory_space<vmem>>, vector<1x2048xi32>
      %add3A_116 = vector.broadcast %get3A_104 : i32 to vector<1x2048xi32>
      %add3A_117 = arith.addi %get3A_115, %add3A_116 : vector<1x2048xi32>
      %swap3A_118 = arith.constant 0 : index
      %swap3A_119 = arith.constant 0 : index
      %swap3A_120 = vector.load %arg6[%swap3A_118, %swap3A_119] : memref<1x2048xi32, #tpu.memory_space<vmem>>, vector<1x2048xi32>
      tpu.vector_store %arg6[%swap3A_118, %swap3A_119], %add3A_117 {strides = array<i32>} : memref<1x2048xi32, #tpu.memory_space<vmem>>, vector<1x2048xi32>,
      %get3A_121 = arith.constant 0 : index
      %get3A_122 = arith.constant 0 : index
      %get3A_123 = vector.load %arg10[%get3A_121, %get3A_122] : memref<1x2048xf32, #tpu.memory_space<vmem>>, vector<1x2048xf32>
      %swap3A_124 = arith.constant 0 : index
      %swap3A_125 = arith.constant 0 : index
      %swap3A_126 = vector.load %arg7[%swap3A_124, %swap3A_125] : memref<1x2048xf32, #tpu.memory_space<vmem>>, vector<1x2048xf32>
      tpu.vector_store %arg7[%swap3A_124, %swap3A_125], %get3A_123 {strides = array<i32>} : memref<1x2048xf32, #tpu.memory_space<vmem>>, vector<1x2048xf32>,
      %get3A_127 = arith.constant 0 : index
      %get3A_128 = arith.constant 0 : index
      %get3A_129 = vector.load %arg12[%get3A_127, %get3A_128] : memref<1x2048xf32, #tpu.memory_space<vmem>>, vector<1x2048xf32>
      %swap3A_130 = arith.constant 0 : index
      %swap3A_131 = arith.constant 0 : index
      %swap3A_132 = vector.load %arg8[%swap3A_130, %swap3A_131] : memref<1x2048xf32, #tpu.memory_space<vmem>>, vector<1x2048xf32>
      tpu.vector_store %arg8[%swap3A_130, %swap3A_131], %get3A_129 {strides = array<i32>} : memref<1x2048xf32, #tpu.memory_space<vmem>>, vector<1x2048xf32>,
    } else {
    }
    return
  }
  func.func @transform_0(%arg0: i32, %arg1: i32) -> (i32, i32) {
    %c0_i32 = arith.constant 0 : i32
    %c0_i32_0 = arith.constant 0 : i32
    %c0_i32_1 = arith.constant 0 : i32
    return %c0_i32, %c0_i32_0 : i32, i32
  }
  func.func @transform_1(%arg0: i32, %arg1: i32) -> (i32, i32) {
    %c0_i32 = arith.constant 0 : i32
    %c0_i32_0 = arith.constant 0 : i32
    return %arg0, %c0_i32 : i32, i32
  }
  func.func @transform_2(%arg0: i32, %arg1: i32) -> (i32, i32) {
    %c0_i32 = arith.constant 0 : i32
    %c0_i32_0 = arith.constant 0 : i32
    return %arg1, %c0_i32 : i32, i32
  }
  func.func @transform_3(%arg0: i32, %arg1: i32) -> (i32, i32) {
    %c0_i32 = arith.constant 0 : i32
    %c0_i32_0 = arith.constant 0 : i32
    return %c0_i32, %arg0 : i32, i32
  }
  func.func @transform_4(%arg0: i32, %arg1: i32) -> (i32, i32) {
    %c0_i32 = arith.constant 0 : i32
    %c0_i32_0 = arith.constant 0 : i32
    return %c0_i32, %arg0 : i32, i32
  }
  func.func @transform_5(%arg0: i32, %arg1: i32) -> (i32, i32) {
    %c0_i32 = arith.constant 0 : i32
    %c0_i32_0 = arith.constant 0 : i32
    return %c0_i32, %arg0 : i32, i32
  }
  func.func @transform_6(%arg0: i32, %arg1: i32) -> (i32, i32) {
    %c0_i32 = arith.constant 0 : i32
    %c0_i32_0 = arith.constant 0 : i32
    return %c0_i32, %arg0 : i32, i32
  }
}

module attributes {stable_mosaic.version = 14 : i64} {
  func.func @_v_kernel(%arg0: i32, %arg1: memref<1x1xi32, #tpu.memory_space<smem>>, %arg2: memref<512x512xf32, #tpu.memory_space<vmem>>, %arg3: memref<4096x640xbf16, #tpu.memory_space<vmem>>, %arg4: memref<1x4096xi32, #tpu.memory_space<vmem>>, %arg5: memref<1x1xf32, #tpu.memory_space<smem>>, %arg6: memref<512x512xf32, #tpu.memory_space<vmem>>) attributes {dimension_semantics = [#tpu.dimension_semantics<arbitrary>], iteration_bounds = array<i64: 32>, scalar_prefetch = 0 : i64, scratch_operands = 0 : i64, tpu.core_type = #tpu.core_type<tc>, window_params = [{transform_indices = @transform_0, window_bounds = array<i64: 1, 1>}, {transform_indices = @transform_1, window_bounds = array<i64: 512, 512>}, {pipeline_mode = #tpu.pipeline_mode<synchronous>, transform_indices = @transform_2, window_bounds = array<i64: 4096, 640>}, {pipeline_mode = #tpu.pipeline_mode<synchronous>, transform_indices = @transform_3, window_bounds = array<i64: 1, 4096>}, {transform_indices = @transform_4, window_bounds = array<i64: 1, 1>}, {transform_indices = @transform_5, window_bounds = array<i64: 512, 512>}]} {
    %iota3A = tpu.iota {dimensions = array<i32: 0>} : vector<512x1xi32>
    %mul3A = arith.constant 512 : i32
    %mul3A_0 = arith.muli %arg0, %mul3A : i32
    %add3A = vector.broadcast %mul3A_0 : i32 to vector<512x1xi32>
    %add3A_1 = arith.addi %iota3A, %add3A : vector<512x1xi32>
    %get3A = arith.constant 0 : index
    %get3A_2 = arith.constant 0 : index
    %get3A_3 = memref.load %arg1[%get3A, %get3A_2] : memref<1x1xi32, #tpu.memory_space<smem>>
    %add3A_4 = vector.broadcast %get3A_3 : i32 to vector<512x1xi32>
    %add3A_5 = arith.addi %add3A_1, %add3A_4 : vector<512x1xi32>
    %get3A_6 = arith.constant 0 : index
    %get3A_7 = arith.constant 0 : index
    %get3A_8 = vector.load %arg4[%get3A_6, %get3A_7] : memref<1x4096xi32, #tpu.memory_space<vmem>>, vector<1x4096xi32>
    %eq3A = vector.broadcast %add3A_5 : vector<512x1xi32> to vector<512x4096xi32>
    %eq3A_9 = vector.broadcast %get3A_8 : vector<1x4096xi32> to vector<512x4096xi32>
    %eq3A_10 = arith.cmpi eq, %eq3A, %eq3A_9 : vector<512x4096xi32>
    %convert_element_type3A = arith.extui %eq3A_10 : vector<512x4096xi1> to vector<512x4096xi32>
    %convert_element_type3A_11 = arith.sitofp %convert_element_type3A : vector<512x4096xi32> to vector<512x4096xf32>
    %convert_element_type3A_12 = arith.truncf %convert_element_type3A_11 : vector<512x4096xf32> to vector<512x4096xbf16>
    %get3A_13 = arith.constant 0 : index
    %get3A_14 = arith.constant 0 : index
    %get3A_15 = vector.load %arg3[%get3A_13, %get3A_14] : memref<4096x640xbf16, #tpu.memory_space<vmem>>, vector<4096x640xbf16>
    %dot_general3A = arith.constant dense<0.000000e+00> : vector<512x640xf32>
    %dot_general3A_16 = tpu.matmul %convert_element_type3A_12, %get3A_15, %dot_general3A {dimension_numbers = #tpu.dot_dimension_numbers<[1], [0], [0], [1], [0, 0, 1, 1], [], []>, transpose_lhs_hint = false} : vector<512x4096xbf16>, vector<4096x640xbf16>, vector<512x640xf32> -> vector<512x640xf32>
    %slice3A = vector.extract_strided_slice %dot_general3A_16 {offsets = [0, 0], sizes = [512, 512], strides = [1, 1]} : vector<512x640xf32> to vector<512x512xf32>
    %slice3A_17 = vector.extract_strided_slice %dot_general3A_16 {offsets = [0, 512], sizes = [512, 1], strides = [1, 1]} : vector<512x640xf32> to vector<512x1xf32>
    %get3A_18 = arith.constant 0 : index
    %get3A_19 = arith.constant 0 : index
    %get3A_20 = memref.load %arg5[%get3A_18, %get3A_19] : memref<1x1xf32, #tpu.memory_space<smem>>
    %get3A_21 = arith.constant 0 : index
    %get3A_22 = arith.constant 0 : index
    %get3A_23 = vector.load %arg2[%get3A_21, %get3A_22] : memref<512x512xf32, #tpu.memory_space<vmem>>, vector<512x512xf32>
    %mul3A_24 = vector.broadcast %get3A_20 : f32 to vector<512x1xf32>
    %mul3A_25 = arith.mulf %mul3A_24, %slice3A_17 : vector<512x1xf32>
    %sub3A = arith.constant 1.000000e+00 : f32
    %sub3A_26 = vector.broadcast %sub3A : f32 to vector<512x1xf32>
    %sub3A_27 = arith.subf %sub3A_26, %mul3A_25 : vector<512x1xf32>
    %mul3A_28 = vector.broadcast %sub3A_27 : vector<512x1xf32> to vector<512x512xf32>
    %mul3A_29 = arith.mulf %get3A_23, %mul3A_28 : vector<512x512xf32>
    %mul3A_30 = vector.broadcast %get3A_20 : f32 to vector<512x512xf32>
    %mul3A_31 = arith.mulf %mul3A_30, %slice3A : vector<512x512xf32>
    %add3A_32 = arith.addf %mul3A_29, %mul3A_31 : vector<512x512xf32>
    %swap3A = arith.constant 0 : index
    %swap3A_33 = arith.constant 0 : index
    %swap3A_34 = vector.load %arg6[%swap3A, %swap3A_33] : memref<512x512xf32, #tpu.memory_space<vmem>>, vector<512x512xf32>
    tpu.vector_store %arg6[%swap3A, %swap3A_33], %add3A_32 {strides = array<i32>} : memref<512x512xf32, #tpu.memory_space<vmem>>, vector<512x512xf32>,
    return
  }
  func.func @transform_0(%arg0: i32) -> (i32, i32) {
    %c0_i32 = arith.constant 0 : i32
    %c0_i32_0 = arith.constant 0 : i32
    %c0_i32_1 = arith.constant 0 : i32
    return %c0_i32, %c0_i32_0 : i32, i32
  }
  func.func @transform_1(%arg0: i32) -> (i32, i32) {
    %c0_i32 = arith.constant 0 : i32
    %c0_i32_0 = arith.constant 0 : i32
    return %arg0, %c0_i32 : i32, i32
  }
  func.func @transform_2(%arg0: i32) -> (i32, i32) {
    %c0_i32 = arith.constant 0 : i32
    %c0_i32_0 = arith.constant 0 : i32
    %c0_i32_1 = arith.constant 0 : i32
    return %c0_i32, %c0_i32_0 : i32, i32
  }
  func.func @transform_3(%arg0: i32) -> (i32, i32) {
    %c0_i32 = arith.constant 0 : i32
    %c0_i32_0 = arith.constant 0 : i32
    %c0_i32_1 = arith.constant 0 : i32
    return %c0_i32, %c0_i32_0 : i32, i32
  }
  func.func @transform_4(%arg0: i32) -> (i32, i32) {
    %c0_i32 = arith.constant 0 : i32
    %c0_i32_0 = arith.constant 0 : i32
    %c0_i32_1 = arith.constant 0 : i32
    return %c0_i32, %c0_i32_0 : i32, i32
  }
  func.func @transform_5(%arg0: i32) -> (i32, i32) {
    %c0_i32 = arith.constant 0 : i32
    %c0_i32_0 = arith.constant 0 : i32
    return %arg0, %c0_i32 : i32, i32
  }
}

</mosaic_0001>

<sc_bundles>
// kernel: kernel.6.cloned.1.call-start
scs
__scs_entry_jumppad:
0x0: {  	(pc) =	sbr.rel $0x88, $3  }
0x1: {  	(tag) =	ssettag $0x0;
	lr =	simm.s32 $0x1  }
0x2: {  	[smem:$0x3F9C] =	sst lr;
	_ =	strace $0xD0000000  }
0x3: {  	_ = 	snop  }
0x4: {  	_ = 	snop  }
0x5: {  	_ = 	snop  }
0x6: {  	_ = 	snop  }
0x7: {  	_ = 	snop  }
__scs_overlays_trampoline_lowered:
0x8: {  	[smem:$0x3FAB] =	sst s0  }
0x9: {  	[smem:$0x3FAC] =	sst s1  }
0xa: {  	[smem:$0x3FAD] =	sst s2  }
0xb: {  	[smem:$0x3FAE] =	sst s3  }
0xc: {  	[smem:$0x3FAF] =	sst s4  }
0xd: {  	[smem:$0x3FB0] =	sst s5  }
0xe: {  	[smem:$0x3FB1] =	sst s6  }
0xf: {  	[smem:$0x3FB2] =	sst s7  }
0x10: {  	[smem:$0x3FB3] =	sst s8  }
0x11: {  	[smem:$0x3FB4] =	sst s9;
	s0 =	simm.s32 @!p0 $0x0  }
0x12: {  	s1 =	sld [smem:$0x3F9A];
	s0 =	simm.s32 @p0 $0x1  }
0x13: {  	[smem:$0x3FB5] =	sst s0;
	s0 =	simm.s32 @!p1 $0x0  }
0x14: {  	s2 =	sld [smem:$0x3F99];
	s0 =	simm.s32 @p1 $0x1  }
0x15: {  	[smem:$0x3FB6] =	sst s0;
	s0 =	simm.s32 @!p2 $0x0  }
0x16: {  	s3 =	sld [smem:$0x3FDB];
	s0 =	simm.s32 @p2 $0x1  }
0x17: {  	s4 =	simm.s32 $0x1BF5;
	[smem:$0x3FB8] =	sst s0  }
0x18: {  	s0 =	sld [smem:$0x3F9B];
	_ =	swait.ge [sflag:s4], $0x0  }
0x19: {  	s7 =	sld [smem:$0x3F9C]  }
0x1a: {  	s8 =	sadd.s32 $0xFFFFE003, lr  }
0x1b: {  	s9 =	sadd.s32 $0xFFFFFEF7, lr;
	s5 =	simm.s32 $0xFFFFFFFF;
	p2 =	slt.u32 s8, $0xFFFFF086  }
0x1c: {  	p1 =	slt.u32 s9, $0xF7A;
	s5 =	simm.s32 @!p2 $0x0  }
0x1d: {  	s5 =	simm.s32 @p1 $0x1;
	p0 =	seq.s32 s7, s2  }
0x1e: {  	s7 =	smul.u32 @!p0 $0xF7A, s2;
	p2 =	seq.s32 @!p0 s5, $0x0  }
0x1f: {  	s9 =	smul.u32 $0xF7A, s1;
	s8 =	simm.s32 @!p0 $0x1BF5;
	p2 =	por !p2, p0  }
0x20: {  	[sflag:s8] =	ssyncset.s32 @!p0 $0xFFFFF086;
	s6 =	sadd.s32 @!p0 s3, s7;
	s7 =	simm.s32 @!p0 $0x108  }
0x21: {  	s3 =	sadd.s32 s3, s9;
	s6 =	sadd.s32 @!p0 $0x88, s6;
	s7 =	simm.s32 @p2 $0x1082  }
0x22: {  	[simem:s7], [sflag:s8] =	dma.local @!p0 [hbm:s6], $0xF7A  }
0x23: {  	s9 =	sor.u32 $0xD0000000, s2;
	s6 =	simm.s32 $0x108;
	_ =	swait.ge @!p0 [sflag:s8], $0x0  }
0x24: {  	s3 =	sadd.s32 $0x88, s3;
	s6 =	simm.s32 @!p1 $0x1082;
	[sflag:s4] =	ssyncset.s32 $0xFFFFF086  }
0x25: {  	[simem:s6], [sflag:s4] =	dma.local [hbm:s3], $0xF7A  }
0x26: {  	[smem:$0x3F9C] =	sst s1;
	(tag) =	ssettag s2;
	_ =	strace s9  }
0x27: {  	s1 =	sld [smem:$0x3FAC]  }
0x28: {  	s2 =	sld [smem:$0x3FAD]  }
0x29: {  	s4 =	sld [smem:$0x3FAF]  }
0x2a: {  	p0 =	seq.s32 s5, $0x0;
	s5 =	sld [smem:$0x3FB0]  }
0x2b: {  	s6 =	sld [smem:$0x3FB1]  }
0x2c: {  	s7 =	sld [smem:$0x3FB2]  }
0x2d: {  	s3 =	simm.s32 $0x108;
	s8 =	sld [smem:$0x3FB3]  }
0x2e: {  	s3 =	simm.s32 @!p0 $0x1082;
	s9 =	sld [smem:$0x3FB4]  }
0x2f: {  	lr =	sadd.s32 s0, s3;
	s0 =	sld [smem:$0x3FAB]  }
0x30: {  	s3 =	sld [smem:$0x3FAE]  }
0x31: {  	[smem:$0x3FB7] =	sst s10  }
0x32: {  	s10 =	sld [smem:$0x3FB5];
	_ =	sdelay $0x3  }
0x33: {  	p0 =	seq.s32 s10, $0x1;
	s10 =	sld [smem:$0x3FB7];
	_ =	sdelay $0x3  }
0x34: {  	[smem:$0x3FB7] =	sst s10  }
0x35: {  	s10 =	sld [smem:$0x3FB6];
	_ =	sdelay $0x3  }
0x36: {  	p1 =	seq.s32 s10, $0x1;
	s10 =	sld [smem:$0x3FB7];
	_ =	sdelay $0x3  }
0x37: {  	[smem:$0x3FB7] =	sst s10  }
0x38: {  	s10 =	sld [smem:$0x3FB8]  }
0x39: {  	_ = 	snop;
	(pc) =	sbr.ind lr, $3  }
0x3a: {  	_ = 	snop  }
0x3b: {  	_ = 	snop  }
0x3c: {  	p2 =	seq.s32 s10, $0x1;
	s10 =	sld [smem:$0x3FB7]  }
0x3d: {  	_ =	shalt  }
0x3e: {  	_ =	shalt  }
0x3f: {  	_ =	shalt  }
0x40: {  	_ =	shalt  }
0x41: {  	_ =	shalt  }
0x42: {  	_ =	shalt  }
0x43: {  	_ =	shalt  }
0x44: {  	_ =	shalt  }
0x45: {  	_ =	shalt  }
0x46: {  	_ =	shalt  }
0x47: {  	_ =	shalt  }
0x48: {  	_ =	shalt  }
0x49: {  	_ =	shalt  }
0x4a: {  	_ =	shalt  }
0x4b: {  	_ =	shalt  }
0x4c: {  	_ =	shalt  }
0x4d: {  	_ =	shalt  }
0x4e: {  	_ =	shalt  }
0x4f: {  	_ =	shalt  }
0x50: {  	_ =	shalt  }
0x51: {  	_ =	shalt  }
0x52: {  	_ =	shalt  }
0x53: {  	_ =	shalt  }
0x54: {  	_ =	shalt  }
0x55: {  	_ =	shalt  }
0x56: {  	_ =	shalt  }
0x57: {  	_ =	shalt  }
0x58: {  	_ =	shalt  }
0x59: {  	_ =	shalt  }
0x5a: {  	_ =	shalt  }
0x5b: {  	_ =	shalt  }
0x5c: {  	_ =	shalt  }
0x5d: {  	_ =	shalt  }
0x5e: {  	_ =	shalt  }
0x5f: {  	_ =	shalt  }
0x60: {  	_ =	shalt  }
0x61: {  	_ =	shalt  }
0x62: {  	_ =	shalt  }
0x63: {  	_ =	shalt  }
0x64: {  	_ =	shalt  }
0x65: {  	_ =	shalt  }
0x66: {  	_ =	shalt  }
0x67: {  	_ =	shalt  }
0x68: {  	_ =	shalt  }
0x69: {  	_ =	shalt  }
0x6a: {  	_ =	shalt  }
0x6b: {  	_ =	shalt  }
0x6c: {  	_ =	shalt  }
0x6d: {  	_ =	shalt  }
0x6e: {  	_ =	shalt  }
0x6f: {  	_ =	shalt  }
0x70: {  	_ =	shalt  }
0x71: {  	_ =	shalt  }
0x72: {  	_ =	shalt  }
0x73: {  	_ =	shalt  }
0x74: {  	_ =	shalt  }
0x75: {  	_ =	shalt  }
0x76: {  	_ =	shalt  }
0x77: {  	_ =	shalt  }
0x78: {  	_ =	shalt  }
0x79: {  	_ =	shalt  }
0x7a: {  	_ =	shalt  }
0x7b: {  	_ =	shalt  }
0x7c: {  	_ =	shalt  }
0x7d: {  	_ =	shalt  }
0x7e: {  	_ =	shalt  }
0x7f: {  	_ =	shalt  }
0x80: {  	_ =	shalt  }
0x81: {  	_ =	shalt  }
0x82: {  	_ =	shalt  }
0x83: {  	_ =	shalt  }
0x84: {  	_ =	shalt  }
0x85: {  	_ =	shalt  }
0x86: {  	_ =	shalt  }
0x87: {  	_ =	shalt  }
.Lfunc_end0:
.L_simem_size_0:
called_computation_lowered:
.L_overlay_start_0:
0x88: {  	s2 =	sld [smem:$0x3FD9]  }
0x89: {  	s3 =	sld [smem:$0x3FFE];
	_ =	sdelay $0x1  }
0x8a: {  	s1 =	srdreg.scid  }
0x8b: {  	s0 =	sand.u32 $0x1, s1  }
0x8c: {  	s14 =	sshll.u32 s0, $0xA;
	s2 =	sadd.s32 s3, s2  }
0x8d: {  	s2 =	sadd.s32 s2, s14  }
0x8e: {  	[smem:$0x3FC3] =	sst s2  }
0x8f: {  	_ = 	snop  }
0x90: {  	s2 =	sld [smem:$0x3FD0];
	_ =	sdelay $0x1  }
0x91: {  	s15 =	sld [smem:$0x3FC6]  }
0x92: {  	s5 =	simm.s32 $0xA;
	s6 =	simm.s32 $0x10;
	s4 =	sld [smem:$0x3FC5]  }
0x93: {  	[smem:s6], [sflag:s5] =	dma.local [hbm:s2], $0x1  }
0x94: {  	_ =	swait.eq [sflag:s5], $0x1  }
0x95: {  	s16 =	sld [smem:$0x11];
	[sflag:s5] =	ssyncset.done $0x0  }
0x96: {  	s17 =	sld [smem:$0x12];
	[sflag:s5] =	ssyncadd.s32 $0xFFFFFFFF  }
0x97: {  	s18 =	sld [smem:$0x14];
	(tm) =	ssettm $0x1  }
0x98: {  	s7 =	sld [smem:$0x3FFB];
	_ =	sdelay $0x3  }
0x99: {  	_ =	strace s7  }
0x9a: {  	s7 =	sld [smem:$0x3FFC];
	_ =	sdelay $0x3  }
0x9b: {  	_ =	strace s7  }
0x9c: {  	s7 =	sld [smem:$0x3FFD];
	_ =	sdelay $0x3  }
0x9d: {  	_ =	strace s7  }
0x9e: {  	_ =	strace $0x8FFFFFFF  }
0x9f: {  	s19 =	sld [smem:$0x3FDB];
	_ =	sdelay $0x1  }
0xa0: {  	s8 =	simm.s32 $_scs_section_size  }
0xa1: {  	s9 =	simm.s32 $_size__tile_overlayer_lowered;
	s10 =	simm.s32 $_tile_overlayer_lowered  }
0xa2: {  	s22 =	simm.s32 $0x1BFF;
	s21 =	sshll.u32 s10, $0x1;
	s7 =	sadd.s32 s8, s19  }
0xa3: {  	s11 =	simm.s32 $0x0;
	s20 =	sshll.u32 s9, $0x1;
	s9 =	sadd.s32 s21, s7  }
0xa4: {  	[timem:s11], [sflag:s22] =	dma.local [hbm:s9], s20  }
0xa5: {  	_ =	swait.ge [sflag:s22], s20  }
0xa6: {  	s8 =	ssub.s32 $0x0, s20;
	[sflag:s22] =	ssyncset.done $0x0  }
0xa7: {  	[sflag:s22] =	ssyncadd.s32 s8;
	_ =	sdelay $0x1  }
0xa8: {  	s23 =	simm.s32 $0x1B8B  }
0xa9: {  	_ =	swait.ge [sflag:s23], $0x1  }
0xaa: {  	[sflag:s23] =	ssyncset.done $0x0  }
0xab: {  	s25 =	simm.s32 $0x1B8E;
	s24 =	sld [smem:$0x3FFE];
	[sflag:s23] =	ssyncadd.s32 $0xFFFFFFFF  }
0xac: {  	s26 =	simm.s32 $execute0_lowered;
	[smem:$0x3FD2] =	sst s25  }
0xad: {  	s9 =	sshll.u32 s26, $0x1;
	_ =	strace $0x80000046;
	[dreg:$0x1] =	wrdreg $0xFFFFFFFF  }
0xae: {  	s28 =	simm.s32 $_size_execute0_lowered;
	s7 =	sadd.s32 s7, s9;
	[dreg:$0x0] =	wrdreg $0x0  }
0xaf: {  	s9 =	sshll.u32 s28, $0x1;
	[dreg:$0x2] =	wrdreg s7  }
0xb0: {  	[dreg:$0x3] =	wrdreg s9  }
0xb1: {  	[dreg:$0x4] =	wrdreg $0xC0  }
0xb2: {  	_ =	task [dreg:s11], $0x5FFFF  }
0xb3: {  	[dreg:$0x1] =	wrdreg $0xFFFFFFFF  }
0xb4: {  	[dreg:$0x0] =	wrdreg $0x60  }
0xb5: {  	[dreg:$0x2] =	wrdreg s24  }
0xb6: {  	[dreg:$0x3] =	wrdreg s18  }
0xb7: {  	[dreg:$0x4] =	wrdreg s15  }
0xb8: {  	[dreg:$0x5] =	wrdreg s4  }
0xb9: {  	[dreg:$0x6] =	wrdreg s16  }
0xba: {  	[dreg:$0x7] =	wrdreg s17  }
0xbb: {  	[dreg:$0x8] =	wrdreg $0x9  }
0xbc: {  	_ =	task.clear_ibuf [dreg:s11], $0x9FFFF;
	_ =	strace $0x90000046  }
0xbd: {  	s29 =	simm.s32 $0x9;
	_ =	strace $0x80000048  }
0xbe: {  	_ =	swait.ge [sflag:s29], $0x1  }
0xbf: {  	[sflag:s29] =	ssyncadd.s32 $0xFFFFFFFF  }
0xc0: {  	_ =	strace $0x90000048  }
0xc1: {  	_ =	sfence  }
0xc2: {  	s30 =	sld [smem:$0x0];
	_ =	sdelay $0x2  }
0xc3: {  	s31 =	sshll.u32 s1, $0xD;
	s1 =	sshrl.u32 s1, $0x2  }
0xc4: {  	s3 =	sand.u32 $0x4000, s31;
	s1 =	sadd.s32 s1, s30  }
0xc5: {  	s0 =	sor.u32 s3, s0;
	s1 =	sshll.u32 s1, $0x11  }
0xc6: {  	s0 =	sor.u32 s1, s0  }
0xc7: {  	s0 =	sadd.s32 $0x8F2B, s0  }
0xc8: {  	[sflag:s0] =	ssyncadd.remote.s32 $0x1  }
0xc9: {  	_ =	sfence.sel $0xFFFF  }
0xca: {  	[dreg:$0x0] =	wrdreg $0xFFFFFFFF;
	(pc) =	sbr.abs _section_cstart, $3  }
0xcb: {  	[dreg:$0x1] =	wrdreg $0xFFFFFFFF  }
0xcc: {  	_ =	task.clear_ibuf [dreg:s11], $0x2FFFF;
	_ =	strace $0x9FFFFFFF  }
0xcd: {  	(tm) =	ssettm $0x7FFFFFFF  }
tec
execute0_lowered:
.L_overlay_start_1:
0x0: {  	(tag) =	ssettag $0x1  }
0x1: {  	s13 =	rddreg [dreg:$0x0]  }
0x2: {  	s1 =	rddreg [dreg:$0x1]  }
0x3: {  	s2 =	rddreg [dreg:$0x2]  }
0x4: {  	s3 =	rddreg [dreg:$0x3]  }
0x5: {  	s4 =	rddreg [dreg:$0x4]  }
0x6: {  	s5 =	rddreg [dreg:$0x5]  }
0x7: {  	s0 =	rddreg [dreg:$0x6];
	_ =	strace $0x80000047;
	s8 =	srdreg.scid  }
0x8: {  	s18 =	simm.s32 $0x6000;
	s19 =	simm.s32 $0x7000;
	s20 =	simm.s32 $0x9000  }
0x9: {  	s22 =	simm.s32 $0x8000;
	s23 =	simm.s32 $0x0;
	s6 =	sadd.s32 $0x2600, s13  }
0xa: {  	s7 =	sadd.s32 $0x1A00, s13;
	s9 =	sadd.s32 $0x1C00, s13;
	s10 =	sadd.s32 $0x2000, s13  }
0xb: {  	s14 =	sand.u32 $0x1, s8;
	s11 =	sadd.s32 $0x2200, s13;
	s8 =	stileid.u32  }
.Ltmp0:
0xc: {  	s12 =	sadd.s32 $0x2400, s13;
	s15 =	ssub.s32 $0x2, s14;
	(pc) =	sbr.rel .LBB2_1-.Ltmp0, $4  }
0xd: {  	s13 =	sadd.s32 $0x1E00, s13;
	s17 =	sshll.u32 s8, $0x1;
	s16 =	sshrl.u32 s15, $0x1  }
0xe: {  	s21 =	sor.u32 s14, s17;
	s17 =	simm.s32 $0x4000;
	s15 =	ssub.s32 s15, s16  }
0xf: {  	p0 =	seq.s32 s21, $0x1;
	s16 =	simm.s32 $0x1;
	p1 =	sne.s32 s21, $0x0  }
0x10: {  	s21 =	simm.s32 $0x5000;
	s14 =	smax.u32 s15, $0x1;
	s15 =	simm.s32 $0x0  }
.LBB2_11:
0x11: {  	_ =	swait.ge [sflag:s16], $0x4000  }
0x12: {  	[sflag:s16] =	ssyncset.done $0x0  }
0x13: {  	[sflag:s16] =	ssyncadd.s32 $0xFFFFC000  }
.LBB2_12:
0x14: {  	s23 =	sadd.s32 $0x1, s23  }
0x15: {  	p2 =	sne.s32 s23, s14  }
.Ltmp1:
0x16: {  	_ = 	snop;
	(pc) =	sbr.rel @!p2 .LBB2_13-.Ltmp1, $1  }
0x17: {  	_ =	sdelay $0x3  }
.LBB2_1:
.Ltmp2:
0x18: {  	(pc) =	sbr.rel @p0 .LBB2_8-.Ltmp2, $1  }
0x19: {  	_ =	sdelay $0x3  }
.Ltmp3:
0x1a: {  	(pc) =	sbr.rel @p1 .LBB2_12-.Ltmp3, $1  }
0x1b: {  	_ =	sdelay $0x3  }
0x1c: {  	s24 =	simm.s32 $0x0  }
0x1d: {  	[tilespmem:s24], [sflag:$0x1] =	stream.linear.gather [hbm4b:s2+s24], $0x4000, $0x38;
	[tilespmem:$0x9080] =	vst v63  }
0x1e: {  	_ =	swait.ge [sflag:s16], $0x4000  }
0x1f: {  	[sflag:s16] =	ssyncset.done $0x0  }
0x20: {  	[sflag:s16] =	ssyncadd.s32 $0xFFFFC000  }
0x21: {  	[tilespmem:s17], [sflag:$0x1] =	stream.linear.gather [hbm4b:s7+s24], $0x1000, $0x38;
	[tilespmem:$0x9080] =	vst v63  }
0x22: {  	_ =	swait.ge [sflag:s16], $0x1000  }
0x23: {  	[sflag:s16] =	ssyncset.done $0x0  }
0x24: {  	[sflag:s16] =	ssyncadd.s32 $0xFFFFF000  }
0x25: {  	[tilespmem:s21], [sflag:$0x1] =	stream.linear.gather [hbm4b:s9+s24], $0x1000, $0x38;
	[tilespmem:$0x9080] =	vst v63  }
0x26: {  	_ =	swait.ge [sflag:s16], $0x1000  }
0x27: {  	[sflag:s16] =	ssyncset.done $0x0  }
0x28: {  	[sflag:s16] =	ssyncadd.s32 $0xFFFFF000  }
0x29: {  	[tilespmem:s18], [sflag:$0x1] =	stream.linear.gather [hbm4b:s12+s24], $0x1000, $0x38;
	[tilespmem:$0x9080] =	vst v63  }
0x2a: {  	_ =	swait.ge [sflag:s16], $0x1000  }
0x2b: {  	[sflag:s16] =	ssyncset.done $0x0  }
0x2c: {  	[sflag:s16] =	ssyncadd.s32 $0xFFFFF000  }
0x2d: {  	[tilespmem:s19], [sflag:$0x1] =	stream.linear.gather [hbm4b:s10+s24], $0x1000, $0x38;
	[tilespmem:$0x9080] =	vst v63  }
0x2e: {  	_ =	swait.ge [sflag:s16], $0x1000  }
0x2f: {  	[sflag:s16] =	ssyncset.done $0x0  }
0x30: {  	[sflag:s16] =	ssyncadd.s32 $0xFFFFF000  }
0x31: {  	[tilespmem:s22], [sflag:$0x1] =	stream.linear.gather [hbm4b:s11+s24], $0x1000, $0x38;
	[tilespmem:$0x9080] =	vst v63  }
0x32: {  	_ =	swait.ge [sflag:s16], $0x1000  }
0x33: {  	[sflag:s16] =	ssyncset.done $0x0  }
0x34: {  	[sflag:s16] =	ssyncadd.s32 $0xFFFFF000  }
0x35: {  	[tilespmem:s20], [sflag:$0x1] =	stream.linear.gather [hbm4b:s6+s24], $0x80, $0x38;
	[tilespmem:$0x9080] =	vst v63  }
0x36: {  	_ =	swait.ge [sflag:s16], $0x80  }
0x37: {  	[sflag:s16] =	ssyncset.done $0x0  }
0x38: {  	[sflag:s16] =	ssyncadd.s32 $0xFFFFFF80  }
0x39: {  	s25 =	simm.s32 $0x40;
	s24 =	simm.s32 $0x0;
	v0 =	vld [tilespmem:$0x9000]  }
.LBB2_4:
0x3a: {  	p2 =	sne.s32 s25, $0x3FC0;
	v1 =	vld [tilespmem:s24+$0x4000]  }
0x3b: {  	v2 =	vld [tilespmem:s24+$0x7000];
	_ =	sdelay $0x3  }
0x3c: {  	v1 =	vsub.s32 v1, v0  }
0x3d: {  	vm0 =	vgt.f32 v2, $5.000000000e-01;
	vm1 =	vlt.u32 v1, $0x4000;
	vm2 =	vgt.s32 v1, $0x0  }
0x3e: {  	vm0 =	vmand vm0, vm1;
	v1 =	vnsel vm2, $0x0, v1  }
0x3f: {  	v1 =	vmin.u32 v1, $0x3FFF;
	v2 =	vld [tilespmem:s24+$0x6000]  }
.Ltmp4:
0x40: {  	(pc) =	sbr.rel @p2 .LBB2_4-.Ltmp4, $2  }
0x41: {  	_ =	sdelay $0x2  }
0x42: {  	s24 =	sshra.s32 s25, $0x2;
	s25 =	sadd.s32 $0x40, s25;
	[tilespmem:v1+s15+$0x0] =	vst.idx.add.f32.msk vm0, v2  }
0x43: {  	v1 =	vld [tilespmem:s24+$0x4000]  }
0x44: {  	v2 =	vld [tilespmem:s24+$0x7000];
	_ =	sdelay $0x3  }
0x45: {  	v1 =	vsub.s32 v1, v0  }
0x46: {  	vm0 =	vgt.f32 v2, $5.000000000e-01;
	vm1 =	vlt.u32 v1, $0x4000;
	vm2 =	vgt.s32 v1, $0x0  }
0x47: {  	vm0 =	vmand vm0, vm1;
	v1 =	vnsel vm2, $0x0, v1  }
0x48: {  	v2 =	vld [tilespmem:s24+$0x6000];
	v1 =	vmin.u32 v1, $0x3FFF;
	_ =	sdelay $0x4  }
0x49: {  	s31 =	simm.s32 $0x0;
	[tilespmem:v1+s15+$0x0] =	vst.idx.add.f32.msk vm0, v2  }
0x4a: {  	[tilespmem:s18], [sflag:$0x1] =	stream.linear.gather [hbm4b:s13+s31], $0x1000, $0x38;
	[tilespmem:$0x9080] =	vst v63  }
0x4b: {  	_ =	swait.ge [sflag:s16], $0x1000  }
0x4c: {  	[sflag:s16] =	ssyncset.done $0x0  }
0x4d: {  	s25 =	simm.s32 $0x40;
	s24 =	simm.s32 $0x0;
	[sflag:s16] =	ssyncadd.s32 $0xFFFFF000  }
.LBB2_6:
0x4e: {  	p2 =	sne.s32 s25, $0x3FC0;
	v1 =	vld [tilespmem:s24+$0x5000]  }
0x4f: {  	v2 =	vld [tilespmem:s24+$0x8000];
	_ =	sdelay $0x3  }
0x50: {  	v1 =	vsub.s32 v1, v0  }
0x51: {  	vm0 =	vgt.f32 v2, $5.000000000e-01;
	vm1 =	vlt.u32 v1, $0x4000;
	vm2 =	vgt.s32 v1, $0x0  }
0x52: {  	vm0 =	vmand vm0, vm1;
	v1 =	vnsel vm2, $0x0, v1  }
0x53: {  	v1 =	vmin.u32 v1, $0x3FFF;
	v2 =	vld [tilespmem:s24+$0x6000]  }
.Ltmp5:
0x54: {  	(pc) =	sbr.rel @p2 .LBB2_6-.Ltmp5, $2  }
0x55: {  	_ =	sdelay $0x2  }
0x56: {  	s24 =	sshra.s32 s25, $0x2;
	s25 =	sadd.s32 $0x40, s25;
	[tilespmem:v1+s15+$0x0] =	vst.idx.add.f32.msk vm0, v2  }
0x57: {  	v1 =	vld [tilespmem:s24+$0x5000]  }
0x58: {  	v2 =	vld [tilespmem:s24+$0x8000];
	_ =	sdelay $0x3  }
0x59: {  	v0 =	vsub.s32 v1, v0  }
0x5a: {  	vm0 =	vgt.f32 v2, $5.000000000e-01;
	vm1 =	vlt.u32 v0, $0x4000;
	vm2 =	vgt.s32 v0, $0x0  }
0x5b: {  	vm0 =	vmand vm0, vm1;
	v0 =	vnsel vm2, $0x0, v0  }
0x5c: {  	v63 =	vld [tilespmem:s24+$0x6000];
	v0 =	vmin.u32 v0, $0x3FFF;
	_ =	sdelay $0x1  }
.Ltmp6:
0x5d: {  	_ = 	snop;
	(pc) =	sbr.rel .LBB2_11-.Ltmp6, $3  }
0x5e: {  	_ =	sdelay $0x1  }
0x5f: {  	[tilespmem:v0+s15+$0x0] =	vst.idx.add.f32.msk vm0, v63  }
0x60: {  	[hbm4b:s4+s15] =	stream.linear.scatter [tilespmem:s15], [sflag:$0x1], $0x4000, $0x38;
	[tilespmem:$0x9080] =	vst v63  }
.LBB2_8:
0x61: {  	s24 =	simm.s32 $0x0  }
0x62: {  	[tilespmem:s24], [sflag:$0x1] =	stream.linear.gather [hbm4b:s3+s24], $0x4000, $0x38;
	[tilespmem:$0x9080] =	vst v63  }
0x63: {  	_ =	swait.ge [sflag:s16], $0x4000  }
0x64: {  	[sflag:s16] =	ssyncset.done $0x0  }
0x65: {  	[sflag:s16] =	ssyncadd.s32 $0xFFFFC000  }
0x66: {  	[tilespmem:s17], [sflag:$0x1] =	stream.linear.gather [hbm4b:s7+s24], $0x1000, $0x38;
	[tilespmem:$0x9080] =	vst v63  }
0x67: {  	_ =	swait.ge [sflag:s16], $0x1000  }
0x68: {  	[sflag:s16] =	ssyncset.done $0x0  }
0x69: {  	[sflag:s16] =	ssyncadd.s32 $0xFFFFF000  }
0x6a: {  	[tilespmem:s18], [sflag:$0x1] =	stream.linear.gather [hbm4b:s1+s24], $0x1000, $0x38;
	[tilespmem:$0x9080] =	vst v63  }
0x6b: {  	_ =	swait.ge [sflag:s16], $0x1000  }
0x6c: {  	[sflag:s16] =	ssyncset.done $0x0  }
0x6d: {  	[sflag:s16] =	ssyncadd.s32 $0xFFFFF000  }
0x6e: {  	[tilespmem:s19], [sflag:$0x1] =	stream.linear.gather [hbm4b:s10+s24], $0x1000, $0x38;
	[tilespmem:$0x9080] =	vst v63  }
0x6f: {  	_ =	swait.ge [sflag:s16], $0x1000  }
0x70: {  	[sflag:s16] =	ssyncset.done $0x0  }
0x71: {  	[sflag:s16] =	ssyncadd.s32 $0xFFFFF000  }
0x72: {  	[tilespmem:s20], [sflag:$0x1] =	stream.linear.gather [hbm4b:s6+s24], $0x80, $0x38;
	[tilespmem:$0x9080] =	vst v63  }
0x73: {  	_ =	swait.ge [sflag:s16], $0x80  }
0x74: {  	[sflag:s16] =	ssyncset.done $0x0  }
0x75: {  	[sflag:s16] =	ssyncadd.s32 $0xFFFFFF80  }
0x76: {  	s25 =	simm.s32 $0x40;
	s24 =	simm.s32 $0x0;
	v0 =	vld [tilespmem:$0x9000]  }
.LBB2_9:
0x77: {  	p2 =	sne.s32 s25, $0x3FC0;
	v1 =	vld [tilespmem:s24+$0x4000]  }
0x78: {  	v2 =	vld [tilespmem:s24+$0x7000];
	_ =	sdelay $0x3  }
0x79: {  	v1 =	vsub.s32 v1, v0  }
0x7a: {  	vm0 =	vgt.f32 v2, $5.000000000e-01;
	vm1 =	vlt.u32 v1, $0x4000;
	vm2 =	vgt.s32 v1, $0x0  }
0x7b: {  	vm0 =	vmand vm0, vm1;
	v1 =	vnsel vm2, $0x0, v1  }
0x7c: {  	v1 =	vmin.u32 v1, $0x3FFF;
	v2 =	vld [tilespmem:s24+$0x6000]  }
.Ltmp7:
0x7d: {  	(pc) =	sbr.rel @p2 .LBB2_9-.Ltmp7, $2  }
0x7e: {  	_ =	sdelay $0x2  }
0x7f: {  	s24 =	sshra.s32 s25, $0x2;
	s25 =	sadd.s32 $0x40, s25;
	[tilespmem:v1+s15+$0x0] =	vst.idx.msk vm0, v2  }
0x80: {  	v1 =	vld [tilespmem:s24+$0x4000]  }
0x81: {  	v2 =	vld [tilespmem:s24+$0x7000];
	_ =	sdelay $0x3  }
0x82: {  	v0 =	vsub.s32 v1, v0  }
0x83: {  	vm0 =	vgt.f32 v2, $5.000000000e-01;
	vm1 =	vlt.u32 v0, $0x4000;
	vm2 =	vgt.s32 v0, $0x0  }
0x84: {  	vm0 =	vmand vm0, vm1;
	v0 =	vnsel vm2, $0x0, v0  }
0x85: {  	v63 =	vld [tilespmem:s24+$0x6000];
	v0 =	vmin.u32 v0, $0x3FFF;
	_ =	sdelay $0x1  }
.Ltmp8:
0x86: {  	_ = 	snop;
	(pc) =	sbr.rel .LBB2_11-.Ltmp8, $3  }
0x87: {  	_ =	sdelay $0x1  }
0x88: {  	[tilespmem:v0+s15+$0x0] =	vst.idx.msk vm0, v63  }
0x89: {  	[hbm4b:s5+s15] =	stream.linear.scatter [tilespmem:s15], [sflag:$0x1], $0x4000, $0x38;
	[tilespmem:$0x9080] =	vst v63  }
.LBB2_13:
0x8a: {  	_ =	sfence.sel $0x180000  }
0x8b: {  	[bflag:$0x0] =	sbarrier.arrive $0xFFFF  }
0x8c: {  	p0 =	sne.s32 s8, $0x0;
	_ =	strace $0x90000047  }
0x8d: {  	s0 =	sadd.s32 @!p0 $0x100000, s0;
	[bflag:$0x2] =	sbarrier.arrive $0xFFFF  }
0x8e: {  	[sflag:s0] =	ssyncadd.tile.s32 @!p0 $0x1;
	_ =	shalt  }
.Lfunc_end2:
_tile_overlayer_lowered:
.L_overlay_start_2:
0x8f: {  	(tag) =	ssettag $0x2  }
0x90: {  	s0 =	rddreg [dreg:$0x0];
	s2 =	stileid.u32  }
0x91: {  	s1 =	rddreg [dreg:$0x1];
	p0 =	sne.s32 s2, $0x0  }
0x92: {  	s3 =	rddreg [dreg:$0x2];
	[bflag:$0x3] =	sbarrier.arrive $0xFFFF;
	s2 =	simm.s32 @!p0 $0x1C01  }
0x93: {  	[timem:s3], [sflag:s2] =	dma.local @!p0 [hbm:s0], s1  }
0x94: {  	s0 =	simm.s32 @!p0 $0x1  }
0x95: {  	_ =	swait.ge @!p0 [sflag:s0], s1  }
0x96: {  	s1 =	ssub.s32 @!p0 $0x0, s1;
	[sflag:s0] =	ssyncset.done @!p0 $0x0  }
0x97: {  	[sflag:s0] =	ssyncadd.s32 @!p0 s1  }
0x98: {  	[bflag:$0x3] =	sbarrier.arrive $0xFFFF  }
0x99: {  	_ =	shalt  }

</sc_bundles>
